<compile_context>
chip_gen: v7x
topology: tpu7x:2x2x1
jax: 0.10.2.dev20260603
libtpu: 0.0.44.dev20260713+nightly
codegen_flags: <defaults>
</compile_context>

<pallas_src>
import functools

import jax
import jax.numpy as jnp
from jax import lax
from jax.experimental import pallas as pl
from jax.experimental.pallas import tpu as pltpu
from jax.experimental.pallas import tpu_sc as plsc

N = 10000
E = 320000
D = 128
K = 16
NT = 10
ALPHA = 0.5

NC = 2
NS = 16
NW = NC * NS
CHUNK = 128
TILE_CHUNKS = 80
TILE_EDGES = TILE_CHUNKS * CHUNK
EPAD = NW * TILE_EDGES
NOUT = 10240
FAKE = NOUT
NFAKE_ROWS = 16
SH_ROWS = NOUT + NFAKE_ROWS
ECHUNKS = EPAD // CHUNK
STAGE = 48
ZROWS = SH_ROWS // NS


def _sc_body(x_hbm, pairs_hbm, z1_hbm,
             agg_out, deg_out,
             sidx_v, didx_v, rows_v, ones_v, agg_sh, deg_sh, sem_g):
    c = lax.axis_index("c")
    s = lax.axis_index("s")

    def zstep(i, carry):
        rows_v[0, i // 8, pl.ds((i % 8) * 16, 16)] = jnp.zeros(
            (16,), jnp.float32)
        return carry

    lax.fori_loop(0, CHUNK * 8, zstep, 0)
    zbase = s * ZROWS
    for r in range(ZROWS // CHUNK):
        pltpu.sync_copy(rows_v.at[0],
                        agg_sh.at[pl.ds(zbase + r * CHUNK, CHUNK)])
    rem = ZROWS % CHUNK
    if rem:
        pltpu.sync_copy(
            rows_v.at[0].at[pl.ds(0, rem)],
            agg_sh.at[pl.ds(zbase + ZROWS - rem, rem)])

    @pl.when(s == 0)
    def _():
        pltpu.sync_copy(z1_hbm, deg_sh)

    for i in range(CHUNK // 16):
        ones_v[pl.ds(i * 16, 16)] = jnp.ones((16,), jnp.float32)

    plsc.subcore_barrier()

    wid = c * NS + s
    cbase = wid * TILE_CHUNKS
    pltpu.sync_copy(pairs_hbm.at[pl.ds(cbase, STAGE), pl.ds(0, CHUNK)],
                    sidx_v)
    pltpu.sync_copy(pairs_hbm.at[pl.ds(cbase, STAGE), pl.ds(CHUNK, CHUNK)],
                    didx_v)

    def gather(j):
        pltpu.async_copy(x_hbm.at[sidx_v.at[j % STAGE]],
                         rows_v.at[j % 2], sem_g)

    def gather_wait():
        pltpu.make_async_copy(x_hbm.at[sidx_v.at[0]],
                              rows_v.at[0], sem_g).wait()

    gather(0)

    def step(j, carry):
        @pl.when(jnp.logical_and(j + 1 < TILE_CHUNKS, j != STAGE - 1))
        def _():
            gather(j + 1)

        gather_wait()

        @pl.when(j == STAGE - 1)
        def _():
            rest = TILE_CHUNKS - STAGE
            pltpu.sync_copy(
                pairs_hbm.at[pl.ds(cbase + STAGE, rest), pl.ds(0, CHUNK)],
                sidx_v.at[pl.ds(0, rest)])
            pltpu.sync_copy(
                pairs_hbm.at[pl.ds(cbase + STAGE, rest),
                             pl.ds(CHUNK, CHUNK)],
                didx_v.at[pl.ds(0, rest)])
            gather(j + 1)

        pltpu.sync_copy(rows_v.at[j % 2], agg_sh.at[didx_v.at[j % STAGE]],
                        add=True)
        pltpu.sync_copy(ones_v, deg_sh.at[didx_v.at[j % STAGE]], add=True)
        return carry

    lax.fori_loop(0, TILE_CHUNKS, step, 0)

    plsc.subcore_barrier()

    @pl.when(s == 0)
    def _():
        pltpu.sync_copy(agg_sh.at[pl.ds(0, NOUT)], agg_out.at[c])
        pltpu.sync_copy(deg_sh.at[pl.ds(0, NOUT)], deg_out.at[c])


_sc_aggregate = functools.partial(
    pl.kernel,
    out_type=(
        jax.ShapeDtypeStruct((NC, NOUT, D), jnp.float32),
        jax.ShapeDtypeStruct((NC, NOUT), jnp.float32),
    ),
    mesh=plsc.VectorSubcoreMesh(core_axis_name="c", subcore_axis_name="s"),
    scratch_types=(
        pltpu.VMEM((STAGE, CHUNK), jnp.int32),
        pltpu.VMEM((STAGE, CHUNK), jnp.int32),
        pltpu.VMEM((2, CHUNK, D), jnp.float32),
        pltpu.VMEM((CHUNK,), jnp.float32),
        pltpu.VMEM_SHARED((SH_ROWS, D), jnp.float32),
        pltpu.VMEM_SHARED((SH_ROWS,), jnp.float32),
        pltpu.SemaphoreType.DMA,
    ),
)(_sc_body)

R = 5120


def _tc_body(degf_ref, agg_ref, fsum_ref, cvec_ref, out_ref):
    i = pl.program_id(0)
    h = 1.0 / NT
    deg_all = degf_ref[0, :] + degf_ref[1, :]
    degmax = jnp.maximum(jnp.max(deg_all), 1.0)

    dblk = (degf_ref[0, pl.ds(i * R, R)]
            + degf_ref[1, pl.ds(i * R, R)])
    dcol = dblk.reshape(R, 1)
    inv = 1.0 / jnp.maximum(dcol, 1.0)
    a = agg_ref[0] + agg_ref[1]
    s2 = jnp.sum(a * a, axis=1, keepdims=True)
    x2 = s2 * inv * inv
    cross = jnp.dot(a, fsum_ref[...],
                    preferred_element_type=jnp.float32) * inv
    wass = x2 + h * cvec_ref[0:1, :] - (2.0 * h) * cross

    dn = dcol / degmax
    gw = ((dn * dn) * float(NT * NT)
          - 2.0 * dn * cvec_ref[1:2, :]
          + cvec_ref[2:3, :]) * (h * h)
    out_ref[...] = ALPHA * wass + (1.0 - ALPHA) * gw


def kernel(x, edge_index, latent_template, templates_features):
    npad = EPAD - E
    fakes = jnp.stack(
        [jnp.arange(npad, dtype=jnp.int32) % N,
         FAKE + (jnp.arange(npad, dtype=jnp.int32) % NFAKE_ROWS)])
    pairs = (jnp.concatenate([edge_index, fakes], axis=1)
             .reshape(2, ECHUNKS, CHUNK).transpose(1, 0, 2)
             .reshape(ECHUNKS, 2 * CHUNK))
    z1 = jnp.zeros((SH_ROWS,), jnp.float32)

    agg2, deg2 = _sc_aggregate(x, pairs, z1)

    fsum_t = jnp.sum(templates_features, axis=1).T
    f2sum = jnp.sum(templates_features ** 2, axis=(1, 2))
    t_sum = jnp.sum(latent_template, axis=(1, 2))
    tmpl = 0.5 * (latent_template
                  + jnp.transpose(latent_template, (0, 2, 1)))
    t_sq = jnp.sum(tmpl ** 2, axis=(1, 2))
    cvec = jnp.zeros((8, K), jnp.float32)
    cvec = cvec.at[0].set(f2sum).at[1].set(t_sum).at[2].set(t_sq)

    out = pl.pallas_call(
        _tc_body,
        grid=(NOUT // R,),
        in_specs=[
            pl.BlockSpec((NC, NOUT), lambda i: (0, 0)),
            pl.BlockSpec((NC, R, D), lambda i: (0, i, 0)),
            pl.BlockSpec((D, K), lambda i: (0, 0)),
            pl.BlockSpec((8, K), lambda i: (0, 0)),
        ],
        out_specs=pl.BlockSpec((R, K), lambda i: (i, 0)),
        out_shape=jax.ShapeDtypeStruct((N, K), jnp.float32),
    )(deg2, agg2, fsum_t, cvec)
    return out

# --- scband reference (transcript-rebuilt; emitter-appended) ---
"""Pipeline reference for scband-ltfwg-8675833938654 (READ-ONLY COPY).

The authoritative reference and input builder live on the scoring server;
editing this copy changes nothing except your own understanding.
"""

import jax, jax.numpy as jnp
import numpy as np

N_NODES = 10000
N_EDGES = 320000
D_FEAT = 128
N_TEMPLATES = 16
N_TEMPLATE_NODES = 10
ALPHA = 0.5


def setup_inputs(seed: int = 0) -> dict:
    key = jax.random.key(seed)
    k1, k2, k3, k4 = jax.random.split(key, 4)
    x = jax.random.normal(k1, (N_NODES, D_FEAT), dtype=jnp.float32)
    edge_index = jax.random.randint(k2, (2, N_EDGES), 0, N_NODES, dtype=jnp.int32)
    # learned parameters sized per init_kwargs (uniform init as in the module)
    latent_template = jax.random.uniform(
        k3, (N_TEMPLATES, N_TEMPLATE_NODES, N_TEMPLATE_NODES), dtype=jnp.float32)
    templates_features = jax.random.uniform(
        k4, (N_TEMPLATES, N_TEMPLATE_NODES, D_FEAT), dtype=jnp.float32)
    return {
        "x": x,
        "edge_index": edge_index,
        "latent_template": latent_template,
        "templates_features": templates_features,
    }


def distance_to_template(x, edge_index, templates_features, template):
    """FGW-style distance from each node's local (1-hop) subgraph to each template.

    Uses a Dirac-node-to-uniform-template transport plan (mass 1/n_T per template
    node): feature (Wasserstein) term on scatter-aggregated neighborhood features,
    structure (Gromov) term comparing normalized node degree to template structure.
    """
    N = x.shape[0]
    K, NT, D = templates_features.shape
    src = edge_index[0]
    dst = edge_index[1]
    # message passing: scatter-add neighbor features, normalize by degree
    deg = jax.ops.segment_sum(jnp.ones((src.shape[0],), dtype=x.dtype), dst,
                              num_segments=N)
    agg = jax.ops.segment_sum(jnp.take(x, src, axis=0), dst, num_segments=N)
    agg = agg / jnp.clip(deg, 1.0)[:, None]
    # feature cost M[i,k,l] = ||agg_i - F_{k,l}||^2
    x2 = jnp.sum(agg * agg, axis=1)                      # [N]
    f2 = jnp.sum(templates_features ** 2, axis=2)        # [K, NT]
    cross = jnp.einsum('nd,kld->nkl', agg, templates_features)  # [N, K, NT]
    M = x2[:, None, None] + f2[None, :, :] - 2.0 * cross
    h = 1.0 / NT
    wass = jnp.sum(M, axis=2) * h                        # [N, K]
    # structure term: sum_{l,l'} h^2 (deg_norm_i - T_{k,l,l'})^2
    deg_norm = deg / jnp.clip(jnp.max(deg), 1.0)         # [N]
    t_sum = jnp.sum(template, axis=(1, 2))               # [K]
    t_sq = jnp.sum(template ** 2, axis=(1, 2))           # [K]
    gw = ((deg_norm ** 2)[:, None] * (NT * NT)
          - 2.0 * deg_norm[:, None] * t_sum[None, :]
          + t_sq[None, :]) * (h * h)                     # [N, K]
    return ALPHA * wass + (1.0 - ALPHA) * gw


def reference(x, edge_index, latent_template, templates_features):
    template = 0.5 * (latent_template + jnp.transpose(latent_template, (0, 2, 1)))
    out = distance_to_template(x, edge_index, templates_features, template)
    return out

if __name__ == "__main__":
    import jax
    _d = setup_inputs()
    print(jax.jit(kernel)(*tuple(_d.values())))

</pallas_src>

<mosaic_0001>
#map = affine_map<(d0, d1) -> (0, 0)>
#map1 = affine_map<(d0, d1) -> (0)>
#map2 = affine_map<(d0, d1) -> (0, 0, 0)>
module attributes {stable_mosaic.version = 14 : i64} {
  func.func @_sc_body(%arg0: i32, %arg1: i32, %arg2: memref<10000x128xf32, #tpu.memory_space<hbm>>, %arg3: memref<2560x256xi32, #tpu.memory_space<hbm>>, %arg4: memref<10256xf32, #tpu.memory_space<hbm>>, %arg5: memref<2x10240x128xf32, #tpu.memory_space<hbm>>, %arg6: memref<2x10240xf32, #tpu.memory_space<hbm>>, %arg7: memref<48x128xi32, #tpu.memory_space<vmem>>, %arg8: memref<48x128xi32, #tpu.memory_space<vmem>>, %arg9: memref<2x128x128xf32, #tpu.memory_space<vmem>>, %arg10: memref<128xf32, #tpu.memory_space<vmem>>, %arg11: memref<10256x128xf32, #tpu.memory_space<vmem_shared>>, %arg12: memref<10256xf32, #tpu.memory_space<vmem_shared>>, %arg13: memref<!tpu.dma_semaphore, #tpu.memory_space<semaphore_mem>>) attributes {dimension_semantics = [#tpu.dimension_semantics<core_parallel>, #tpu.dimension_semantics<subcore_parallel>], iteration_bounds = array<i64: 2, 16>, scalar_prefetch = 0 : i64, scratch_operands = 7 : i64, tpu.core_type = #tpu.core_type<sc_vector_subcore>, window_params = [{transform_indices = #map}, {transform_indices = #map}, {transform_indices = #map1}, {transform_indices = #map2}, {transform_indices = #map}]} {
    %scan3A = arith.constant 0 : i32
    %scan3A_0 = arith.constant 0 : i32
    %scan3A_1 = arith.constant 1024 : i32
    %scan3A_2 = arith.addi %scan3A_0, %scan3A_1 : i32
    %scan3A_3 = arith.constant 1 : i32
    scf.for %scan3A_99 = %scan3A_0 to %scan3A_2 step %scan3A_3  : i32 {
      %broadcast_in_dim3A_100 = arith.constant 0.000000e+00 : f32
      %broadcast_in_dim3A_101 = vector.broadcast %broadcast_in_dim3A_100 : f32 to vector<16xf32>
      %jit3A = arith.constant 8 : i32
      %div3A = arith.divsi %scan3A_99, %jit3A : i32
      %sign3A = arith.constant 0 : i32
      %sign3A_102 = arith.cmpi sgt, %scan3A_99, %sign3A : i32
      %sign3A_103 = arith.extui %sign3A_102 : i1 to i32
      %sign3A_104 = arith.constant 0 : i32
      %sign3A_105 = arith.cmpi slt, %scan3A_99, %sign3A_104 : i32
      %sign3A_106 = arith.extui %sign3A_105 : i1 to i32
      %sign3A_107 = arith.subi %sign3A_103, %sign3A_106 : i32
      %sign3A_108 = arith.constant 0 : i32
      %sign3A_109 = arith.cmpi sgt, %jit3A, %sign3A_108 : i32
      %sign3A_110 = arith.extui %sign3A_109 : i1 to i32
      %sign3A_111 = arith.constant 0 : i32
      %sign3A_112 = arith.cmpi slt, %jit3A, %sign3A_111 : i32
      %sign3A_113 = arith.extui %sign3A_112 : i1 to i32
      %sign3A_114 = arith.subi %sign3A_110, %sign3A_113 : i32
      %ne3A = arith.cmpi ne, %sign3A_107, %sign3A_114 : i32
      %rem3A = arith.remsi %scan3A_99, %jit3A : i32
      %ne3A_115 = arith.constant 0 : i32
      %ne3A_116 = arith.cmpi ne, %rem3A, %ne3A_115 : i32
      %and3A = arith.andi %ne3A, %ne3A_116 : i1
      %sub3A_117 = arith.constant 1 : i32
      %sub3A_118 = arith.subi %div3A, %sub3A_117 : i32
      %select_n3A = arith.select %and3A, %sub3A_118, %div3A : i32
      %jit3A_119 = arith.constant 8 : i32
      %eq3A_120 = arith.constant 0 : i32
      %eq3A_121 = arith.cmpi eq, %jit3A_119, %eq3A_120 : i32
      %jit3A_122 = arith.constant 1 : i32
      %select_n3A_123 = arith.select %eq3A_121, %jit3A_122, %jit3A_119 : i32
      %rem3A_124 = arith.remsi %scan3A_99, %select_n3A_123 : i32
      %ne3A_125 = arith.constant 0 : i32
      %ne3A_126 = arith.cmpi ne, %rem3A_124, %ne3A_125 : i32
      %lt3A = arith.constant 0 : i32
      %lt3A_127 = arith.cmpi slt, %rem3A_124, %lt3A : i32
      %lt3A_128 = arith.constant 0 : i32
      %lt3A_129 = arith.cmpi slt, %select_n3A_123, %lt3A_128 : i32
      %ne3A_130 = arith.xori %lt3A_127, %lt3A_129 : i1
      %and3A_131 = arith.andi %ne3A_130, %ne3A_126 : i1
      %add3A_132 = arith.addi %rem3A_124, %select_n3A_123 : i32
      %select_n3A_133 = arith.select %and3A_131, %add3A_132, %rem3A_124 : i32
      %mul3A_134 = arith.constant 16 : i32
      %mul3A_135 = arith.muli %select_n3A_133, %mul3A_134 : i32
      %swap3A_136 = arith.constant 0 : i32
      %swap3A_137 = arith.index_cast %swap3A_136 : i32 to index
      %swap3A_138 = arith.index_cast %select_n3A : i32 to index
      %swap3A_139 = arith.index_cast %mul3A_135 : i32 to index
      %swap3A_140 = tpu.vector_load %arg9[%swap3A_137, %swap3A_138, %swap3A_139] {strides = array<i32>} : memref<2x128x128xf32, #tpu.memory_space<vmem>>, vector<1x1x16xf32>,
      %swap3A_141 = vector.shape_cast %swap3A_140 : vector<1x1x16xf32> to vector<16xf32>
      %swap3A_142 = vector.shape_cast %broadcast_in_dim3A_101 : vector<16xf32> to vector<1x1x16xf32>
      tpu.vector_store %arg9[%swap3A_137, %swap3A_138, %swap3A_139], %swap3A_142 {strides = array<i32>} : memref<2x128x128xf32, #tpu.memory_space<vmem>>, vector<1x1x16xf32>,
    }
    %scan3A_4 = arith.constant 1024 : i32
    %mul3A = arith.constant 641 : i32
    %mul3A_5 = arith.muli %arg1, %mul3A : i32
    %add3A = arith.constant 0 : i32
    %add3A_6 = arith.addi %mul3A_5, %add3A : i32
    %run_scoped3A = arith.constant 0 : i32
    "tpu.region"() ({
      %run_scoped3A_99 = tpu.sem_alloc : memref<!tpu.dma_semaphore, #tpu.memory_space<semaphore_mem>>
      %dma_start3A_100 = arith.constant 0 : i32
      %dma_start3A_101 = arith.constant 0 : i32
      %dma_start3A_102 = tpu.memref_slice %arg9[%run_scoped3A, %dma_start3A_100, %dma_start3A_101] : memref<2x128x128xf32, #tpu.memory_space<vmem>> -> memref<1x128x128xf32, #tpu.memory_space<vmem>>
      %dma_start3A_103 = tpu.memref_squeeze %dma_start3A_102 : memref<1x128x128xf32, #tpu.memory_space<vmem>> -> memref<128x128xf32, #tpu.memory_space<vmem>>
      %dma_start3A_104 = arith.constant 0 : i32
      %dma_start3A_105 = tpu.memref_slice %arg11[%add3A_6, %dma_start3A_104] : memref<10256x128xf32, #tpu.memory_space<vmem_shared>> -> memref<128x128xf32, #tpu.memory_space<vmem_shared>>
      %dma_start3A_106 = arith.constant 0 : i32
      %dma_start3A_107 = tpu.memref_slice %arg11[%add3A_6, %dma_start3A_106] : memref<10256x128xf32, #tpu.memory_space<vmem_shared>> -> memref<128x128xf32, #tpu.memory_space<vmem_shared>>
      %dma_start3A_108 = arith.constant 0 : i32
      %dma_start3A_109 = arith.constant 0 : i32
      %dma_start3A_110 = tpu.memref_slice %arg9[%run_scoped3A, %dma_start3A_108, %dma_start3A_109] : memref<2x128x128xf32, #tpu.memory_space<vmem>> -> memref<1x128x128xf32, #tpu.memory_space<vmem>>
      %dma_start3A_111 = tpu.memref_squeeze %dma_start3A_110 : memref<1x128x128xf32, #tpu.memory_space<vmem>> -> memref<128x128xf32, #tpu.memory_space<vmem>>
      tpu.enqueue_dma source(%dma_start3A_111 : memref<128x128xf32, #tpu.memory_space<vmem>>) target(%dma_start3A_107 : memref<128x128xf32, #tpu.memory_space<vmem_shared>>) target_semaphore(%run_scoped3A_99 : memref<!tpu.dma_semaphore, #tpu.memory_space<semaphore_mem>>)
      %dma_wait3A = arith.constant 0 : i32
      %dma_wait3A_112 = arith.constant 0 : i32
      %dma_wait3A_113 = tpu.memref_slice %arg9[%run_scoped3A, %dma_wait3A, %dma_wait3A_112] : memref<2x128x128xf32, #tpu.memory_space<vmem>> -> memref<1x128x128xf32, #tpu.memory_space<vmem>>
      %dma_wait3A_114 = tpu.memref_squeeze %dma_wait3A_113 : memref<1x128x128xf32, #tpu.memory_space<vmem>> -> memref<128x128xf32, #tpu.memory_space<vmem>>
      %dma_wait3A_115 = arith.constant 0 : i32
      %dma_wait3A_116 = tpu.memref_slice %arg11[%add3A_6, %dma_wait3A_115] : memref<10256x128xf32, #tpu.memory_space<vmem_shared>> -> memref<128x128xf32, #tpu.memory_space<vmem_shared>>
      %dma_wait3A_117 = arith.constant 0 : i32
      %dma_wait3A_118 = tpu.memref_slice %arg11[%add3A_6, %dma_wait3A_117] : memref<10256x128xf32, #tpu.memory_space<vmem_shared>> -> memref<128x128xf32, #tpu.memory_space<vmem_shared>>
      %dma_wait3A_119 = arith.constant 0 : i32
      %dma_wait3A_120 = arith.constant 0 : i32
      %dma_wait3A_121 = tpu.memref_slice %arg9[%run_scoped3A, %dma_wait3A_119, %dma_wait3A_120] : memref<2x128x128xf32, #tpu.memory_space<vmem>> -> memref<1x128x128xf32, #tpu.memory_space<vmem>>
      %dma_wait3A_122 = tpu.memref_squeeze %dma_wait3A_121 : memref<1x128x128xf32, #tpu.memory_space<vmem>> -> memref<128x128xf32, #tpu.memory_space<vmem>>
      tpu.wait_dma2 semaphore(%run_scoped3A_99 : memref<!tpu.dma_semaphore, #tpu.memory_space<semaphore_mem>>) src(%dma_wait3A_122 : memref<128x128xf32, #tpu.memory_space<vmem>>) dst(%dma_wait3A_118 : memref<128x128xf32, #tpu.memory_space<vmem_shared>>)
      tpu.yield
    }) : () -> ()
    %add3A_7 = arith.constant 128 : i32
    %add3A_8 = arith.addi %mul3A_5, %add3A_7 : i32
    %run_scoped3A_9 = arith.constant 0 : i32
    "tpu.region"() ({
      %run_scoped3A_99 = tpu.sem_alloc : memref<!tpu.dma_semaphore, #tpu.memory_space<semaphore_mem>>
      %dma_start3A_100 = arith.constant 0 : i32
      %dma_start3A_101 = arith.constant 0 : i32
      %dma_start3A_102 = tpu.memref_slice %arg9[%run_scoped3A_9, %dma_start3A_100, %dma_start3A_101] : memref<2x128x128xf32, #tpu.memory_space<vmem>> -> memref<1x128x128xf32, #tpu.memory_space<vmem>>
      %dma_start3A_103 = tpu.memref_squeeze %dma_start3A_102 : memref<1x128x128xf32, #tpu.memory_space<vmem>> -> memref<128x128xf32, #tpu.memory_space<vmem>>
      %dma_start3A_104 = arith.constant 0 : i32
      %dma_start3A_105 = tpu.memref_slice %arg11[%add3A_8, %dma_start3A_104] : memref<10256x128xf32, #tpu.memory_space<vmem_shared>> -> memref<128x128xf32, #tpu.memory_space<vmem_shared>>
      %dma_start3A_106 = arith.constant 0 : i32
      %dma_start3A_107 = tpu.memref_slice %arg11[%add3A_8, %dma_start3A_106] : memref<10256x128xf32, #tpu.memory_space<vmem_shared>> -> memref<128x128xf32, #tpu.memory_space<vmem_shared>>
      %dma_start3A_108 = arith.constant 0 : i32
      %dma_start3A_109 = arith.constant 0 : i32
      %dma_start3A_110 = tpu.memref_slice %arg9[%run_scoped3A_9, %dma_start3A_108, %dma_start3A_109] : memref<2x128x128xf32, #tpu.memory_space<vmem>> -> memref<1x128x128xf32, #tpu.memory_space<vmem>>
      %dma_start3A_111 = tpu.memref_squeeze %dma_start3A_110 : memref<1x128x128xf32, #tpu.memory_space<vmem>> -> memref<128x128xf32, #tpu.memory_space<vmem>>
      tpu.enqueue_dma source(%dma_start3A_111 : memref<128x128xf32, #tpu.memory_space<vmem>>) target(%dma_start3A_107 : memref<128x128xf32, #tpu.memory_space<vmem_shared>>) target_semaphore(%run_scoped3A_99 : memref<!tpu.dma_semaphore, #tpu.memory_space<semaphore_mem>>)
      %dma_wait3A = arith.constant 0 : i32
      %dma_wait3A_112 = arith.constant 0 : i32
      %dma_wait3A_113 = tpu.memref_slice %arg9[%run_scoped3A_9, %dma_wait3A, %dma_wait3A_112] : memref<2x128x128xf32, #tpu.memory_space<vmem>> -> memref<1x128x128xf32, #tpu.memory_space<vmem>>
      %dma_wait3A_114 = tpu.memref_squeeze %dma_wait3A_113 : memref<1x128x128xf32, #tpu.memory_space<vmem>> -> memref<128x128xf32, #tpu.memory_space<vmem>>
      %dma_wait3A_115 = arith.constant 0 : i32
      %dma_wait3A_116 = tpu.memref_slice %arg11[%add3A_8, %dma_wait3A_115] : memref<10256x128xf32, #tpu.memory_space<vmem_shared>> -> memref<128x128xf32, #tpu.memory_space<vmem_shared>>
      %dma_wait3A_117 = arith.constant 0 : i32
      %dma_wait3A_118 = tpu.memref_slice %arg11[%add3A_8, %dma_wait3A_117] : memref<10256x128xf32, #tpu.memory_space<vmem_shared>> -> memref<128x128xf32, #tpu.memory_space<vmem_shared>>
      %dma_wait3A_119 = arith.constant 0 : i32
      %dma_wait3A_120 = arith.constant 0 : i32
      %dma_wait3A_121 = tpu.memref_slice %arg9[%run_scoped3A_9, %dma_wait3A_119, %dma_wait3A_120] : memref<2x128x128xf32, #tpu.memory_space<vmem>> -> memref<1x128x128xf32, #tpu.memory_space<vmem>>
      %dma_wait3A_122 = tpu.memref_squeeze %dma_wait3A_121 : memref<1x128x128xf32, #tpu.memory_space<vmem>> -> memref<128x128xf32, #tpu.memory_space<vmem>>
      tpu.wait_dma2 semaphore(%run_scoped3A_99 : memref<!tpu.dma_semaphore, #tpu.memory_space<semaphore_mem>>) src(%dma_wait3A_122 : memref<128x128xf32, #tpu.memory_space<vmem>>) dst(%dma_wait3A_118 : memref<128x128xf32, #tpu.memory_space<vmem_shared>>)
      tpu.yield
    }) : () -> ()
    %add3A_10 = arith.constant 256 : i32
    %add3A_11 = arith.addi %mul3A_5, %add3A_10 : i32
    %run_scoped3A_12 = arith.constant 0 : i32
    "tpu.region"() ({
      %run_scoped3A_99 = tpu.sem_alloc : memref<!tpu.dma_semaphore, #tpu.memory_space<semaphore_mem>>
      %dma_start3A_100 = arith.constant 0 : i32
      %dma_start3A_101 = arith.constant 0 : i32
      %dma_start3A_102 = tpu.memref_slice %arg9[%run_scoped3A_12, %dma_start3A_100, %dma_start3A_101] : memref<2x128x128xf32, #tpu.memory_space<vmem>> -> memref<1x128x128xf32, #tpu.memory_space<vmem>>
      %dma_start3A_103 = tpu.memref_squeeze %dma_start3A_102 : memref<1x128x128xf32, #tpu.memory_space<vmem>> -> memref<128x128xf32, #tpu.memory_space<vmem>>
      %dma_start3A_104 = arith.constant 0 : i32
      %dma_start3A_105 = tpu.memref_slice %arg11[%add3A_11, %dma_start3A_104] : memref<10256x128xf32, #tpu.memory_space<vmem_shared>> -> memref<128x128xf32, #tpu.memory_space<vmem_shared>>
      %dma_start3A_106 = arith.constant 0 : i32
      %dma_start3A_107 = tpu.memref_slice %arg11[%add3A_11, %dma_start3A_106] : memref<10256x128xf32, #tpu.memory_space<vmem_shared>> -> memref<128x128xf32, #tpu.memory_space<vmem_shared>>
      %dma_start3A_108 = arith.constant 0 : i32
      %dma_start3A_109 = arith.constant 0 : i32
      %dma_start3A_110 = tpu.memref_slice %arg9[%run_scoped3A_12, %dma_start3A_108, %dma_start3A_109] : memref<2x128x128xf32, #tpu.memory_space<vmem>> -> memref<1x128x128xf32, #tpu.memory_space<vmem>>
      %dma_start3A_111 = tpu.memref_squeeze %dma_start3A_110 : memref<1x128x128xf32, #tpu.memory_space<vmem>> -> memref<128x128xf32, #tpu.memory_space<vmem>>
      tpu.enqueue_dma source(%dma_start3A_111 : memref<128x128xf32, #tpu.memory_space<vmem>>) target(%dma_start3A_107 : memref<128x128xf32, #tpu.memory_space<vmem_shared>>) target_semaphore(%run_scoped3A_99 : memref<!tpu.dma_semaphore, #tpu.memory_space<semaphore_mem>>)
      %dma_wait3A = arith.constant 0 : i32
      %dma_wait3A_112 = arith.constant 0 : i32
      %dma_wait3A_113 = tpu.memref_slice %arg9[%run_scoped3A_12, %dma_wait3A, %dma_wait3A_112] : memref<2x128x128xf32, #tpu.memory_space<vmem>> -> memref<1x128x128xf32, #tpu.memory_space<vmem>>
      %dma_wait3A_114 = tpu.memref_squeeze %dma_wait3A_113 : memref<1x128x128xf32, #tpu.memory_space<vmem>> -> memref<128x128xf32, #tpu.memory_space<vmem>>
      %dma_wait3A_115 = arith.constant 0 : i32
      %dma_wait3A_116 = tpu.memref_slice %arg11[%add3A_11, %dma_wait3A_115] : memref<10256x128xf32, #tpu.memory_space<vmem_shared>> -> memref<128x128xf32, #tpu.memory_space<vmem_shared>>
      %dma_wait3A_117 = arith.constant 0 : i32
      %dma_wait3A_118 = tpu.memref_slice %arg11[%add3A_11, %dma_wait3A_117] : memref<10256x128xf32, #tpu.memory_space<vmem_shared>> -> memref<128x128xf32, #tpu.memory_space<vmem_shared>>
      %dma_wait3A_119 = arith.constant 0 : i32
      %dma_wait3A_120 = arith.constant 0 : i32
      %dma_wait3A_121 = tpu.memref_slice %arg9[%run_scoped3A_12, %dma_wait3A_119, %dma_wait3A_120] : memref<2x128x128xf32, #tpu.memory_space<vmem>> -> memref<1x128x128xf32, #tpu.memory_space<vmem>>
      %dma_wait3A_122 = tpu.memref_squeeze %dma_wait3A_121 : memref<1x128x128xf32, #tpu.memory_space<vmem>> -> memref<128x128xf32, #tpu.memory_space<vmem>>
      tpu.wait_dma2 semaphore(%run_scoped3A_99 : memref<!tpu.dma_semaphore, #tpu.memory_space<semaphore_mem>>) src(%dma_wait3A_122 : memref<128x128xf32, #tpu.memory_space<vmem>>) dst(%dma_wait3A_118 : memref<128x128xf32, #tpu.memory_space<vmem_shared>>)
      tpu.yield
    }) : () -> ()
    %add3A_13 = arith.constant 384 : i32
    %add3A_14 = arith.addi %mul3A_5, %add3A_13 : i32
    %run_scoped3A_15 = arith.constant 0 : i32
    "tpu.region"() ({
      %run_scoped3A_99 = tpu.sem_alloc : memref<!tpu.dma_semaphore, #tpu.memory_space<semaphore_mem>>
      %dma_start3A_100 = arith.constant 0 : i32
      %dma_start3A_101 = arith.constant 0 : i32
      %dma_start3A_102 = tpu.memref_slice %arg9[%run_scoped3A_15, %dma_start3A_100, %dma_start3A_101] : memref<2x128x128xf32, #tpu.memory_space<vmem>> -> memref<1x128x128xf32, #tpu.memory_space<vmem>>
      %dma_start3A_103 = tpu.memref_squeeze %dma_start3A_102 : memref<1x128x128xf32, #tpu.memory_space<vmem>> -> memref<128x128xf32, #tpu.memory_space<vmem>>
      %dma_start3A_104 = arith.constant 0 : i32
      %dma_start3A_105 = tpu.memref_slice %arg11[%add3A_14, %dma_start3A_104] : memref<10256x128xf32, #tpu.memory_space<vmem_shared>> -> memref<128x128xf32, #tpu.memory_space<vmem_shared>>
      %dma_start3A_106 = arith.constant 0 : i32
      %dma_start3A_107 = tpu.memref_slice %arg11[%add3A_14, %dma_start3A_106] : memref<10256x128xf32, #tpu.memory_space<vmem_shared>> -> memref<128x128xf32, #tpu.memory_space<vmem_shared>>
      %dma_start3A_108 = arith.constant 0 : i32
      %dma_start3A_109 = arith.constant 0 : i32
      %dma_start3A_110 = tpu.memref_slice %arg9[%run_scoped3A_15, %dma_start3A_108, %dma_start3A_109] : memref<2x128x128xf32, #tpu.memory_space<vmem>> -> memref<1x128x128xf32, #tpu.memory_space<vmem>>
      %dma_start3A_111 = tpu.memref_squeeze %dma_start3A_110 : memref<1x128x128xf32, #tpu.memory_space<vmem>> -> memref<128x128xf32, #tpu.memory_space<vmem>>
      tpu.enqueue_dma source(%dma_start3A_111 : memref<128x128xf32, #tpu.memory_space<vmem>>) target(%dma_start3A_107 : memref<128x128xf32, #tpu.memory_space<vmem_shared>>) target_semaphore(%run_scoped3A_99 : memref<!tpu.dma_semaphore, #tpu.memory_space<semaphore_mem>>)
      %dma_wait3A = arith.constant 0 : i32
      %dma_wait3A_112 = arith.constant 0 : i32
      %dma_wait3A_113 = tpu.memref_slice %arg9[%run_scoped3A_15, %dma_wait3A, %dma_wait3A_112] : memref<2x128x128xf32, #tpu.memory_space<vmem>> -> memref<1x128x128xf32, #tpu.memory_space<vmem>>
      %dma_wait3A_114 = tpu.memref_squeeze %dma_wait3A_113 : memref<1x128x128xf32, #tpu.memory_space<vmem>> -> memref<128x128xf32, #tpu.memory_space<vmem>>
      %dma_wait3A_115 = arith.constant 0 : i32
      %dma_wait3A_116 = tpu.memref_slice %arg11[%add3A_14, %dma_wait3A_115] : memref<10256x128xf32, #tpu.memory_space<vmem_shared>> -> memref<128x128xf32, #tpu.memory_space<vmem_shared>>
      %dma_wait3A_117 = arith.constant 0 : i32
      %dma_wait3A_118 = tpu.memref_slice %arg11[%add3A_14, %dma_wait3A_117] : memref<10256x128xf32, #tpu.memory_space<vmem_shared>> -> memref<128x128xf32, #tpu.memory_space<vmem_shared>>
      %dma_wait3A_119 = arith.constant 0 : i32
      %dma_wait3A_120 = arith.constant 0 : i32
      %dma_wait3A_121 = tpu.memref_slice %arg9[%run_scoped3A_15, %dma_wait3A_119, %dma_wait3A_120] : memref<2x128x128xf32, #tpu.memory_space<vmem>> -> memref<1x128x128xf32, #tpu.memory_space<vmem>>
      %dma_wait3A_122 = tpu.memref_squeeze %dma_wait3A_121 : memref<1x128x128xf32, #tpu.memory_space<vmem>> -> memref<128x128xf32, #tpu.memory_space<vmem>>
      tpu.wait_dma2 semaphore(%run_scoped3A_99 : memref<!tpu.dma_semaphore, #tpu.memory_space<semaphore_mem>>) src(%dma_wait3A_122 : memref<128x128xf32, #tpu.memory_space<vmem>>) dst(%dma_wait3A_118 : memref<128x128xf32, #tpu.memory_space<vmem_shared>>)
      tpu.yield
    }) : () -> ()
    %add3A_16 = arith.constant 512 : i32
    %add3A_17 = arith.addi %mul3A_5, %add3A_16 : i32
    %run_scoped3A_18 = arith.constant 0 : i32
    "tpu.region"() ({
      %run_scoped3A_99 = tpu.sem_alloc : memref<!tpu.dma_semaphore, #tpu.memory_space<semaphore_mem>>
      %dma_start3A_100 = arith.constant 0 : i32
      %dma_start3A_101 = arith.constant 0 : i32
      %dma_start3A_102 = tpu.memref_slice %arg9[%run_scoped3A_18, %dma_start3A_100, %dma_start3A_101] : memref<2x128x128xf32, #tpu.memory_space<vmem>> -> memref<1x128x128xf32, #tpu.memory_space<vmem>>
      %dma_start3A_103 = tpu.memref_squeeze %dma_start3A_102 : memref<1x128x128xf32, #tpu.memory_space<vmem>> -> memref<128x128xf32, #tpu.memory_space<vmem>>
      %dma_start3A_104 = arith.constant 0 : i32
      %dma_start3A_105 = tpu.memref_slice %arg11[%add3A_17, %dma_start3A_104] : memref<10256x128xf32, #tpu.memory_space<vmem_shared>> -> memref<128x128xf32, #tpu.memory_space<vmem_shared>>
      %dma_start3A_106 = arith.constant 0 : i32
      %dma_start3A_107 = tpu.memref_slice %arg11[%add3A_17, %dma_start3A_106] : memref<10256x128xf32, #tpu.memory_space<vmem_shared>> -> memref<128x128xf32, #tpu.memory_space<vmem_shared>>
      %dma_start3A_108 = arith.constant 0 : i32
      %dma_start3A_109 = arith.constant 0 : i32
      %dma_start3A_110 = tpu.memref_slice %arg9[%run_scoped3A_18, %dma_start3A_108, %dma_start3A_109] : memref<2x128x128xf32, #tpu.memory_space<vmem>> -> memref<1x128x128xf32, #tpu.memory_space<vmem>>
      %dma_start3A_111 = tpu.memref_squeeze %dma_start3A_110 : memref<1x128x128xf32, #tpu.memory_space<vmem>> -> memref<128x128xf32, #tpu.memory_space<vmem>>
      tpu.enqueue_dma source(%dma_start3A_111 : memref<128x128xf32, #tpu.memory_space<vmem>>) target(%dma_start3A_107 : memref<128x128xf32, #tpu.memory_space<vmem_shared>>) target_semaphore(%run_scoped3A_99 : memref<!tpu.dma_semaphore, #tpu.memory_space<semaphore_mem>>)
      %dma_wait3A = arith.constant 0 : i32
      %dma_wait3A_112 = arith.constant 0 : i32
      %dma_wait3A_113 = tpu.memref_slice %arg9[%run_scoped3A_18, %dma_wait3A, %dma_wait3A_112] : memref<2x128x128xf32, #tpu.memory_space<vmem>> -> memref<1x128x128xf32, #tpu.memory_space<vmem>>
      %dma_wait3A_114 = tpu.memref_squeeze %dma_wait3A_113 : memref<1x128x128xf32, #tpu.memory_space<vmem>> -> memref<128x128xf32, #tpu.memory_space<vmem>>
      %dma_wait3A_115 = arith.constant 0 : i32
      %dma_wait3A_116 = tpu.memref_slice %arg11[%add3A_17, %dma_wait3A_115] : memref<10256x128xf32, #tpu.memory_space<vmem_shared>> -> memref<128x128xf32, #tpu.memory_space<vmem_shared>>
      %dma_wait3A_117 = arith.constant 0 : i32
      %dma_wait3A_118 = tpu.memref_slice %arg11[%add3A_17, %dma_wait3A_117] : memref<10256x128xf32, #tpu.memory_space<vmem_shared>> -> memref<128x128xf32, #tpu.memory_space<vmem_shared>>
      %dma_wait3A_119 = arith.constant 0 : i32
      %dma_wait3A_120 = arith.constant 0 : i32
      %dma_wait3A_121 = tpu.memref_slice %arg9[%run_scoped3A_18, %dma_wait3A_119, %dma_wait3A_120] : memref<2x128x128xf32, #tpu.memory_space<vmem>> -> memref<1x128x128xf32, #tpu.memory_space<vmem>>
      %dma_wait3A_122 = tpu.memref_squeeze %dma_wait3A_121 : memref<1x128x128xf32, #tpu.memory_space<vmem>> -> memref<128x128xf32, #tpu.memory_space<vmem>>
      tpu.wait_dma2 semaphore(%run_scoped3A_99 : memref<!tpu.dma_semaphore, #tpu.memory_space<semaphore_mem>>) src(%dma_wait3A_122 : memref<128x128xf32, #tpu.memory_space<vmem>>) dst(%dma_wait3A_118 : memref<128x128xf32, #tpu.memory_space<vmem_shared>>)
      tpu.yield
    }) : () -> ()
    %add3A_19 = arith.constant 641 : i32
    %add3A_20 = arith.addi %mul3A_5, %add3A_19 : i32
    %sub3A = arith.constant 1 : i32
    %sub3A_21 = arith.subi %add3A_20, %sub3A : i32
    %run_scoped3A_22 = arith.constant 0 : i32
    "tpu.region"() ({
      %run_scoped3A_99 = tpu.sem_alloc : memref<!tpu.dma_semaphore, #tpu.memory_space<semaphore_mem>>
      %dma_start3A_100 = arith.constant 0 : i32
      %dma_start3A_101 = arith.constant 0 : i32
      %dma_start3A_102 = tpu.memref_slice %arg9[%run_scoped3A_22, %dma_start3A_100, %dma_start3A_101] : memref<2x128x128xf32, #tpu.memory_space<vmem>> -> memref<1x128x128xf32, #tpu.memory_space<vmem>>
      %dma_start3A_103 = tpu.memref_squeeze %dma_start3A_102 : memref<1x128x128xf32, #tpu.memory_space<vmem>> -> memref<128x128xf32, #tpu.memory_space<vmem>>
      %dma_start3A_104 = arith.constant 0 : i32
      %dma_start3A_105 = arith.constant 0 : i32
      %dma_start3A_106 = tpu.memref_slice %dma_start3A_103[%dma_start3A_104, %dma_start3A_105] : memref<128x128xf32, #tpu.memory_space<vmem>> -> memref<1x128xf32, #tpu.memory_space<vmem>>
      %dma_start3A_107 = arith.constant 0 : i32
      %dma_start3A_108 = tpu.memref_slice %arg11[%sub3A_21, %dma_start3A_107] : memref<10256x128xf32, #tpu.memory_space<vmem_shared>> -> memref<1x128xf32, #tpu.memory_space<vmem_shared>>
      %dma_start3A_109 = arith.constant 0 : i32
      %dma_start3A_110 = tpu.memref_slice %arg11[%sub3A_21, %dma_start3A_109] : memref<10256x128xf32, #tpu.memory_space<vmem_shared>> -> memref<1x128xf32, #tpu.memory_space<vmem_shared>>
      %dma_start3A_111 = arith.constant 0 : i32
      %dma_start3A_112 = arith.constant 0 : i32
      %dma_start3A_113 = tpu.memref_slice %arg9[%run_scoped3A_22, %dma_start3A_111, %dma_start3A_112] : memref<2x128x128xf32, #tpu.memory_space<vmem>> -> memref<1x128x128xf32, #tpu.memory_space<vmem>>
      %dma_start3A_114 = tpu.memref_squeeze %dma_start3A_113 : memref<1x128x128xf32, #tpu.memory_space<vmem>> -> memref<128x128xf32, #tpu.memory_space<vmem>>
      %dma_start3A_115 = arith.constant 0 : i32
      %dma_start3A_116 = arith.constant 0 : i32
      %dma_start3A_117 = tpu.memref_slice %dma_start3A_114[%dma_start3A_115, %dma_start3A_116] : memref<128x128xf32, #tpu.memory_space<vmem>> -> memref<1x128xf32, #tpu.memory_space<vmem>>
      tpu.enqueue_dma source(%dma_start3A_117 : memref<1x128xf32, #tpu.memory_space<vmem>>) target(%dma_start3A_110 : memref<1x128xf32, #tpu.memory_space<vmem_shared>>) target_semaphore(%run_scoped3A_99 : memref<!tpu.dma_semaphore, #tpu.memory_space<semaphore_mem>>)
      %dma_wait3A = arith.constant 0 : i32
      %dma_wait3A_118 = arith.constant 0 : i32
      %dma_wait3A_119 = tpu.memref_slice %arg9[%run_scoped3A_22, %dma_wait3A, %dma_wait3A_118] : memref<2x128x128xf32, #tpu.memory_space<vmem>> -> memref<1x128x128xf32, #tpu.memory_space<vmem>>
      %dma_wait3A_120 = tpu.memref_squeeze %dma_wait3A_119 : memref<1x128x128xf32, #tpu.memory_space<vmem>> -> memref<128x128xf32, #tpu.memory_space<vmem>>
      %dma_wait3A_121 = arith.constant 0 : i32
      %dma_wait3A_122 = arith.constant 0 : i32
      %dma_wait3A_123 = tpu.memref_slice %dma_wait3A_120[%dma_wait3A_121, %dma_wait3A_122] : memref<128x128xf32, #tpu.memory_space<vmem>> -> memref<1x128xf32, #tpu.memory_space<vmem>>
      %dma_wait3A_124 = arith.constant 0 : i32
      %dma_wait3A_125 = tpu.memref_slice %arg11[%sub3A_21, %dma_wait3A_124] : memref<10256x128xf32, #tpu.memory_space<vmem_shared>> -> memref<1x128xf32, #tpu.memory_space<vmem_shared>>
      %dma_wait3A_126 = arith.constant 0 : i32
      %dma_wait3A_127 = tpu.memref_slice %arg11[%sub3A_21, %dma_wait3A_126] : memref<10256x128xf32, #tpu.memory_space<vmem_shared>> -> memref<1x128xf32, #tpu.memory_space<vmem_shared>>
      %dma_wait3A_128 = arith.constant 0 : i32
      %dma_wait3A_129 = arith.constant 0 : i32
      %dma_wait3A_130 = tpu.memref_slice %arg9[%run_scoped3A_22, %dma_wait3A_128, %dma_wait3A_129] : memref<2x128x128xf32, #tpu.memory_space<vmem>> -> memref<1x128x128xf32, #tpu.memory_space<vmem>>
      %dma_wait3A_131 = tpu.memref_squeeze %dma_wait3A_130 : memref<1x128x128xf32, #tpu.memory_space<vmem>> -> memref<128x128xf32, #tpu.memory_space<vmem>>
      %dma_wait3A_132 = arith.constant 0 : i32
      %dma_wait3A_133 = arith.constant 0 : i32
      %dma_wait3A_134 = tpu.memref_slice %dma_wait3A_131[%dma_wait3A_132, %dma_wait3A_133] : memref<128x128xf32, #tpu.memory_space<vmem>> -> memref<1x128xf32, #tpu.memory_space<vmem>>
      tpu.wait_dma2 semaphore(%run_scoped3A_99 : memref<!tpu.dma_semaphore, #tpu.memory_space<semaphore_mem>>) src(%dma_wait3A_134 : memref<1x128xf32, #tpu.memory_space<vmem>>) dst(%dma_wait3A_127 : memref<1x128xf32, #tpu.memory_space<vmem_shared>>)
      tpu.yield
    }) : () -> ()
    %eq3A = arith.constant 0 : i32
    %eq3A_23 = arith.cmpi eq, %arg1, %eq3A : i32
    %convert_element_type3A = arith.extui %eq3A_23 : i1 to i32
    %cond3A = arith.constant 0 : i32
    %cond3A_24 = arith.cmpi ne, %convert_element_type3A, %cond3A : i32
    scf.if %cond3A_24 {
      "tpu.region"() ({
        %run_scoped3A_99 = tpu.sem_alloc : memref<!tpu.dma_semaphore, #tpu.memory_space<semaphore_mem>>
        tpu.enqueue_dma source(%arg4 : memref<10256xf32, #tpu.memory_space<hbm>>) target(%arg12 : memref<10256xf32, #tpu.memory_space<vmem_shared>>) target_semaphore(%run_scoped3A_99 : memref<!tpu.dma_semaphore, #tpu.memory_space<semaphore_mem>>)
        tpu.wait_dma2 semaphore(%run_scoped3A_99 : memref<!tpu.dma_semaphore, #tpu.memory_space<semaphore_mem>>) src(%arg4 : memref<10256xf32, #tpu.memory_space<hbm>>) dst(%arg12 : memref<10256xf32, #tpu.memory_space<vmem_shared>>)
        tpu.yield
      }) : () -> ()
    } else {
    }
    %broadcast_in_dim3A = arith.constant 1.000000e+00 : f32
    %broadcast_in_dim3A_25 = vector.broadcast %broadcast_in_dim3A : f32 to vector<16xf32>
    %swap3A = arith.constant 0 : index
    %swap3A_26 = tpu.vector_load %arg10[%swap3A] {strides = array<i32>} : memref<128xf32, #tpu.memory_space<vmem>>, vector<16xf32>,
    %swap3A_27 = vector.shape_cast %swap3A_26 : vector<16xf32> to vector<16xf32>
    %swap3A_28 = vector.shape_cast %broadcast_in_dim3A_25 : vector<16xf32> to vector<16xf32>
    tpu.vector_store %arg10[%swap3A], %swap3A_28 {strides = array<i32>} : memref<128xf32, #tpu.memory_space<vmem>>, vector<16xf32>,
    %broadcast_in_dim3A_29 = arith.constant 1.000000e+00 : f32
    %broadcast_in_dim3A_30 = vector.broadcast %broadcast_in_dim3A_29 : f32 to vector<16xf32>
    %swap3A_31 = arith.constant 16 : index
    %swap3A_32 = tpu.vector_load %arg10[%swap3A_31] {strides = array<i32>} : memref<128xf32, #tpu.memory_space<vmem>>, vector<16xf32>,
    %swap3A_33 = vector.shape_cast %swap3A_32 : vector<16xf32> to vector<16xf32>
    %swap3A_34 = vector.shape_cast %broadcast_in_dim3A_30 : vector<16xf32> to vector<16xf32>
    tpu.vector_store %arg10[%swap3A_31], %swap3A_34 {strides = array<i32>} : memref<128xf32, #tpu.memory_space<vmem>>, vector<16xf32>,
    %broadcast_in_dim3A_35 = arith.constant 1.000000e+00 : f32
    %broadcast_in_dim3A_36 = vector.broadcast %broadcast_in_dim3A_35 : f32 to vector<16xf32>
    %swap3A_37 = arith.constant 32 : index
    %swap3A_38 = tpu.vector_load %arg10[%swap3A_37] {strides = array<i32>} : memref<128xf32, #tpu.memory_space<vmem>>, vector<16xf32>,
    %swap3A_39 = vector.shape_cast %swap3A_38 : vector<16xf32> to vector<16xf32>
    %swap3A_40 = vector.shape_cast %broadcast_in_dim3A_36 : vector<16xf32> to vector<16xf32>
    tpu.vector_store %arg10[%swap3A_37], %swap3A_40 {strides = array<i32>} : memref<128xf32, #tpu.memory_space<vmem>>, vector<16xf32>,
    %broadcast_in_dim3A_41 = arith.constant 1.000000e+00 : f32
    %broadcast_in_dim3A_42 = vector.broadcast %broadcast_in_dim3A_41 : f32 to vector<16xf32>
    %swap3A_43 = arith.constant 48 : index
    %swap3A_44 = tpu.vector_load %arg10[%swap3A_43] {strides = array<i32>} : memref<128xf32, #tpu.memory_space<vmem>>, vector<16xf32>,
    %swap3A_45 = vector.shape_cast %swap3A_44 : vector<16xf32> to vector<16xf32>
    %swap3A_46 = vector.shape_cast %broadcast_in_dim3A_42 : vector<16xf32> to vector<16xf32>
    tpu.vector_store %arg10[%swap3A_43], %swap3A_46 {strides = array<i32>} : memref<128xf32, #tpu.memory_space<vmem>>, vector<16xf32>,
    %broadcast_in_dim3A_47 = arith.constant 1.000000e+00 : f32
    %broadcast_in_dim3A_48 = vector.broadcast %broadcast_in_dim3A_47 : f32 to vector<16xf32>
    %swap3A_49 = arith.constant 64 : index
    %swap3A_50 = tpu.vector_load %arg10[%swap3A_49] {strides = array<i32>} : memref<128xf32, #tpu.memory_space<vmem>>, vector<16xf32>,
    %swap3A_51 = vector.shape_cast %swap3A_50 : vector<16xf32> to vector<16xf32>
    %swap3A_52 = vector.shape_cast %broadcast_in_dim3A_48 : vector<16xf32> to vector<16xf32>
    tpu.vector_store %arg10[%swap3A_49], %swap3A_52 {strides = array<i32>} : memref<128xf32, #tpu.memory_space<vmem>>, vector<16xf32>,
    %broadcast_in_dim3A_53 = arith.constant 1.000000e+00 : f32
    %broadcast_in_dim3A_54 = vector.broadcast %broadcast_in_dim3A_53 : f32 to vector<16xf32>
    %swap3A_55 = arith.constant 80 : index
    %swap3A_56 = tpu.vector_load %arg10[%swap3A_55] {strides = array<i32>} : memref<128xf32, #tpu.memory_space<vmem>>, vector<16xf32>,
    %swap3A_57 = vector.shape_cast %swap3A_56 : vector<16xf32> to vector<16xf32>
    %swap3A_58 = vector.shape_cast %broadcast_in_dim3A_54 : vector<16xf32> to vector<16xf32>
    tpu.vector_store %arg10[%swap3A_55], %swap3A_58 {strides = array<i32>} : memref<128xf32, #tpu.memory_space<vmem>>, vector<16xf32>,
    %broadcast_in_dim3A_59 = arith.constant 1.000000e+00 : f32
    %broadcast_in_dim3A_60 = vector.broadcast %broadcast_in_dim3A_59 : f32 to vector<16xf32>
    %swap3A_61 = arith.constant 96 : index
    %swap3A_62 = tpu.vector_load %arg10[%swap3A_61] {strides = array<i32>} : memref<128xf32, #tpu.memory_space<vmem>>, vector<16xf32>,
    %swap3A_63 = vector.shape_cast %swap3A_62 : vector<16xf32> to vector<16xf32>
    %swap3A_64 = vector.shape_cast %broadcast_in_dim3A_60 : vector<16xf32> to vector<16xf32>
    tpu.vector_store %arg10[%swap3A_61], %swap3A_64 {strides = array<i32>} : memref<128xf32, #tpu.memory_space<vmem>>, vector<16xf32>,
    %broadcast_in_dim3A_65 = arith.constant 1.000000e+00 : f32
    %broadcast_in_dim3A_66 = vector.broadcast %broadcast_in_dim3A_65 : f32 to vector<16xf32>
    %swap3A_67 = arith.constant 112 : index
    %swap3A_68 = tpu.vector_load %arg10[%swap3A_67] {strides = array<i32>} : memref<128xf32, #tpu.memory_space<vmem>>, vector<16xf32>,
    %swap3A_69 = vector.shape_cast %swap3A_68 : vector<16xf32> to vector<16xf32>
    %swap3A_70 = vector.shape_cast %broadcast_in_dim3A_66 : vector<16xf32> to vector<16xf32>
    tpu.vector_store %arg10[%swap3A_67], %swap3A_70 {strides = array<i32>} : memref<128xf32, #tpu.memory_space<vmem>>, vector<16xf32>,
    %barrier3A = arith.constant 0 : index
    tpu.barrier barrier_id(%barrier3A)
    %mul3A_71 = arith.constant 16 : i32
    %mul3A_72 = arith.muli %arg0, %mul3A_71 : i32
    %add3A_73 = arith.addi %mul3A_72, %arg1 : i32
    %mul3A_74 = arith.constant 80 : i32
    %mul3A_75 = arith.muli %add3A_73, %mul3A_74 : i32
    "tpu.region"() ({
      %run_scoped3A_99 = tpu.sem_alloc : memref<!tpu.dma_semaphore, #tpu.memory_space<semaphore_mem>>
      %dma_start3A_100 = arith.constant 0 : i32
      %dma_start3A_101 = tpu.memref_slice %arg3[%mul3A_75, %dma_start3A_100] : memref<2560x256xi32, #tpu.memory_space<hbm>> -> memref<48x128xi32, #tpu.memory_space<hbm>>
      %dma_start3A_102 = arith.constant 0 : i32
      %dma_start3A_103 = tpu.memref_slice %arg3[%mul3A_75, %dma_start3A_102] : memref<2560x256xi32, #tpu.memory_space<hbm>> -> memref<48x128xi32, #tpu.memory_space<hbm>>
      tpu.enqueue_dma source(%dma_start3A_103 : memref<48x128xi32, #tpu.memory_space<hbm>>) target(%arg7 : memref<48x128xi32, #tpu.memory_space<vmem>>) target_semaphore(%run_scoped3A_99 : memref<!tpu.dma_semaphore, #tpu.memory_space<semaphore_mem>>)
      %dma_wait3A = arith.constant 0 : i32
      %dma_wait3A_104 = tpu.memref_slice %arg3[%mul3A_75, %dma_wait3A] : memref<2560x256xi32, #tpu.memory_space<hbm>> -> memref<48x128xi32, #tpu.memory_space<hbm>>
      %dma_wait3A_105 = arith.constant 0 : i32
      %dma_wait3A_106 = tpu.memref_slice %arg3[%mul3A_75, %dma_wait3A_105] : memref<2560x256xi32, #tpu.memory_space<hbm>> -> memref<48x128xi32, #tpu.memory_space<hbm>>
      tpu.wait_dma2 semaphore(%run_scoped3A_99 : memref<!tpu.dma_semaphore, #tpu.memory_space<semaphore_mem>>) src(%dma_wait3A_106 : memref<48x128xi32, #tpu.memory_space<hbm>>) dst(%arg7 : memref<48x128xi32, #tpu.memory_space<vmem>>)
      tpu.yield
    }) : () -> ()
    "tpu.region"() ({
      %run_scoped3A_99 = tpu.sem_alloc : memref<!tpu.dma_semaphore, #tpu.memory_space<semaphore_mem>>
      %dma_start3A_100 = arith.constant 128 : i32
      %dma_start3A_101 = tpu.memref_slice %arg3[%mul3A_75, %dma_start3A_100] : memref<2560x256xi32, #tpu.memory_space<hbm>> -> memref<48x128xi32, #tpu.memory_space<hbm>>
      %dma_start3A_102 = arith.constant 128 : i32
      %dma_start3A_103 = tpu.memref_slice %arg3[%mul3A_75, %dma_start3A_102] : memref<2560x256xi32, #tpu.memory_space<hbm>> -> memref<48x128xi32, #tpu.memory_space<hbm>>
      tpu.enqueue_dma source(%dma_start3A_103 : memref<48x128xi32, #tpu.memory_space<hbm>>) target(%arg8 : memref<48x128xi32, #tpu.memory_space<vmem>>) target_semaphore(%run_scoped3A_99 : memref<!tpu.dma_semaphore, #tpu.memory_space<semaphore_mem>>)
      %dma_wait3A = arith.constant 128 : i32
      %dma_wait3A_104 = tpu.memref_slice %arg3[%mul3A_75, %dma_wait3A] : memref<2560x256xi32, #tpu.memory_space<hbm>> -> memref<48x128xi32, #tpu.memory_space<hbm>>
      %dma_wait3A_105 = arith.constant 128 : i32
      %dma_wait3A_106 = tpu.memref_slice %arg3[%mul3A_75, %dma_wait3A_105] : memref<2560x256xi32, #tpu.memory_space<hbm>> -> memref<48x128xi32, #tpu.memory_space<hbm>>
      tpu.wait_dma2 semaphore(%run_scoped3A_99 : memref<!tpu.dma_semaphore, #tpu.memory_space<semaphore_mem>>) src(%dma_wait3A_106 : memref<48x128xi32, #tpu.memory_space<hbm>>) dst(%arg8 : memref<48x128xi32, #tpu.memory_space<vmem>>)
      tpu.yield
    }) : () -> ()
    %dma_start3A = arith.constant 0 : i32
    %dma_start3A_76 = arith.constant 0 : i32
    %dma_start3A_77 = arith.constant 0 : i32
    %dma_start3A_78 = arith.constant 0 : i32
    %dma_start3A_79 = tpu.memref_slice %arg9[%dma_start3A_76, %dma_start3A_77, %dma_start3A_78] : memref<2x128x128xf32, #tpu.memory_space<vmem>> -> memref<1x128x128xf32, #tpu.memory_space<vmem>>
    %dma_start3A_80 = tpu.memref_squeeze %dma_start3A_79 : memref<1x128x128xf32, #tpu.memory_space<vmem>> -> memref<128x128xf32, #tpu.memory_space<vmem>>
    %dma_start3A_81 = arith.constant 0 : i32
    %dma_start3A_82 = tpu.memref_slice %arg7[%dma_start3A, %dma_start3A_81] : memref<48x128xi32, #tpu.memory_space<vmem>> -> memref<1x128xi32, #tpu.memory_space<vmem>>
    %dma_start3A_83 = tpu.memref_squeeze %dma_start3A_82 : memref<1x128xi32, #tpu.memory_space<vmem>> -> memref<128xi32, #tpu.memory_space<vmem>>
    %dma_start3A_84 = arith.constant 0 : i32
    %dma_start3A_85 = arith.constant 0 : i32
    %dma_start3A_86 = tpu.memref_slice %arg2[%dma_start3A_84, %dma_start3A_85] : memref<10000x128xf32, #tpu.memory_space<hbm>> -> memref<10000x128xf32, #tpu.memory_space<hbm>>
    tpu.enqueue_indirect_dma source(%dma_start3A_86 : memref<10000x128xf32, #tpu.memory_space<hbm>>) target(%dma_start3A_80 : memref<128x128xf32, #tpu.memory_space<vmem>>) offsets(%dma_start3A_83 : memref<128xi32, #tpu.memory_space<vmem>>) semaphore(%arg13 : memref<!tpu.dma_semaphore, #tpu.memory_space<semaphore_mem>>)
    %scan3A_87 = arith.constant 0 : i32
    %scan3A_88 = arith.constant 0 : i32
    %scan3A_89 = arith.constant 80 : i32
    %scan3A_90 = arith.addi %scan3A_88, %scan3A_89 : i32
    %scan3A_91 = arith.constant 1 : i32
    scf.for %scan3A_99 = %scan3A_88 to %scan3A_90 step %scan3A_91  : i32 {
      %add3A_100 = arith.constant 1 : i32
      %add3A_101 = arith.addi %scan3A_99, %add3A_100 : i32
      %lt3A = arith.constant 80 : i32
      %lt3A_102 = arith.cmpi slt, %add3A_101, %lt3A : i32
      %ne3A = arith.constant 47 : i32
      %ne3A_103 = arith.cmpi ne, %scan3A_99, %ne3A : i32
      %and3A = arith.andi %lt3A_102, %ne3A_103 : i1
      %convert_element_type3A_104 = arith.extui %and3A : i1 to i32
      %cond3A_105 = arith.constant 0 : i32
      %cond3A_106 = arith.cmpi ne, %convert_element_type3A_104, %cond3A_105 : i32
      scf.if %cond3A_106 {
        %add3A_168 = arith.constant 1 : i32
        %add3A_169 = arith.addi %scan3A_99, %add3A_168 : i32
        %jit3A_170 = arith.constant 48 : i32
        %eq3A_171 = arith.constant 0 : i32
        %eq3A_172 = arith.cmpi eq, %jit3A_170, %eq3A_171 : i32
        %jit3A_173 = arith.constant 1 : i32
        %select_n3A_174 = arith.select %eq3A_172, %jit3A_173, %jit3A_170 : i32
        %rem3A_175 = arith.remsi %add3A_169, %select_n3A_174 : i32
        %ne3A_176 = arith.constant 0 : i32
        %ne3A_177 = arith.cmpi ne, %rem3A_175, %ne3A_176 : i32
        %lt3A_178 = arith.constant 0 : i32
        %lt3A_179 = arith.cmpi slt, %rem3A_175, %lt3A_178 : i32
        %lt3A_180 = arith.constant 0 : i32
        %lt3A_181 = arith.cmpi slt, %select_n3A_174, %lt3A_180 : i32
        %ne3A_182 = arith.xori %lt3A_179, %lt3A_181 : i1
        %and3A_183 = arith.andi %ne3A_182, %ne3A_177 : i1
        %add3A_184 = arith.addi %rem3A_175, %select_n3A_174 : i32
        %select_n3A_185 = arith.select %and3A_183, %add3A_184, %rem3A_175 : i32
        %jit3A_186 = arith.constant 2 : i32
        %eq3A_187 = arith.constant 0 : i32
        %eq3A_188 = arith.cmpi eq, %jit3A_186, %eq3A_187 : i32
        %jit3A_189 = arith.constant 1 : i32
        %select_n3A_190 = arith.select %eq3A_188, %jit3A_189, %jit3A_186 : i32
        %rem3A_191 = arith.remsi %add3A_169, %select_n3A_190 : i32
        %ne3A_192 = arith.constant 0 : i32
        %ne3A_193 = arith.cmpi ne, %rem3A_191, %ne3A_192 : i32
        %lt3A_194 = arith.constant 0 : i32
        %lt3A_195 = arith.cmpi slt, %rem3A_191, %lt3A_194 : i32
        %lt3A_196 = arith.constant 0 : i32
        %lt3A_197 = arith.cmpi slt, %select_n3A_190, %lt3A_196 : i32
        %ne3A_198 = arith.xori %lt3A_195, %lt3A_197 : i1
        %and3A_199 = arith.andi %ne3A_198, %ne3A_193 : i1
        %add3A_200 = arith.addi %rem3A_191, %select_n3A_190 : i32
        %select_n3A_201 = arith.select %and3A_199, %add3A_200, %rem3A_191 : i32
        %dma_start3A_202 = arith.constant 0 : i32
        %dma_start3A_203 = arith.constant 0 : i32
        %dma_start3A_204 = tpu.memref_slice %arg9[%select_n3A_201, %dma_start3A_202, %dma_start3A_203] : memref<2x128x128xf32, #tpu.memory_space<vmem>> -> memref<1x128x128xf32, #tpu.memory_space<vmem>>
        %dma_start3A_205 = tpu.memref_squeeze %dma_start3A_204 : memref<1x128x128xf32, #tpu.memory_space<vmem>> -> memref<128x128xf32, #tpu.memory_space<vmem>>
        %dma_start3A_206 = arith.constant 0 : i32
        %dma_start3A_207 = tpu.memref_slice %arg7[%select_n3A_185, %dma_start3A_206] : memref<48x128xi32, #tpu.memory_space<vmem>> -> memref<1x128xi32, #tpu.memory_space<vmem>>
        %dma_start3A_208 = tpu.memref_squeeze %dma_start3A_207 : memref<1x128xi32, #tpu.memory_space<vmem>> -> memref<128xi32, #tpu.memory_space<vmem>>
        %dma_start3A_209 = arith.constant 0 : i32
        %dma_start3A_210 = arith.constant 0 : i32
        %dma_start3A_211 = tpu.memref_slice %arg2[%dma_start3A_209, %dma_start3A_210] : memref<10000x128xf32, #tpu.memory_space<hbm>> -> memref<10000x128xf32, #tpu.memory_space<hbm>>
        tpu.enqueue_indirect_dma source(%dma_start3A_211 : memref<10000x128xf32, #tpu.memory_space<hbm>>) target(%dma_start3A_205 : memref<128x128xf32, #tpu.memory_space<vmem>>) offsets(%dma_start3A_208 : memref<128xi32, #tpu.memory_space<vmem>>) semaphore(%arg13 : memref<!tpu.dma_semaphore, #tpu.memory_space<semaphore_mem>>)
      } else {
      }
      %dma_wait3A = arith.constant 0 : i32
      %dma_wait3A_107 = arith.constant 0 : i32
      %dma_wait3A_108 = arith.constant 0 : i32
      %dma_wait3A_109 = arith.constant 0 : i32
      %dma_wait3A_110 = tpu.memref_slice %arg9[%dma_wait3A_107, %dma_wait3A_108, %dma_wait3A_109] : memref<2x128x128xf32, #tpu.memory_space<vmem>> -> memref<1x128x128xf32, #tpu.memory_space<vmem>>
      %dma_wait3A_111 = tpu.memref_squeeze %dma_wait3A_110 : memref<1x128x128xf32, #tpu.memory_space<vmem>> -> memref<128x128xf32, #tpu.memory_space<vmem>>
      %dma_wait3A_112 = arith.constant 0 : i32
      %dma_wait3A_113 = tpu.memref_slice %arg7[%dma_wait3A, %dma_wait3A_112] : memref<48x128xi32, #tpu.memory_space<vmem>> -> memref<1x128xi32, #tpu.memory_space<vmem>>
      %dma_wait3A_114 = tpu.memref_squeeze %dma_wait3A_113 : memref<1x128xi32, #tpu.memory_space<vmem>> -> memref<128xi32, #tpu.memory_space<vmem>>
      %dma_wait3A_115 = arith.constant 0 : i32
      %dma_wait3A_116 = arith.constant 0 : i32
      %dma_wait3A_117 = tpu.memref_slice %arg2[%dma_wait3A_115, %dma_wait3A_116] : memref<10000x128xf32, #tpu.memory_space<hbm>> -> memref<10000x128xf32, #tpu.memory_space<hbm>>
      tpu.wait_indirect_dma semaphore(%arg13 : memref<!tpu.dma_semaphore, #tpu.memory_space<semaphore_mem>>) src(%dma_wait3A_117 : memref<10000x128xf32, #tpu.memory_space<hbm>>) dst(%dma_wait3A_111 : memref<128x128xf32, #tpu.memory_space<vmem>>)
      %eq3A_118 = arith.constant 47 : i32
      %eq3A_119 = arith.cmpi eq, %scan3A_99, %eq3A_118 : i32
      %convert_element_type3A_120 = arith.extui %eq3A_119 : i1 to i32
      %cond3A_121 = arith.constant 0 : i32
      %cond3A_122 = arith.cmpi ne, %convert_element_type3A_120, %cond3A_121 : i32
      scf.if %cond3A_122 {
        %add3A_168 = arith.constant 48 : i32
        %add3A_169 = arith.addi %mul3A_75, %add3A_168 : i32
        "tpu.region"() ({
          %run_scoped3A_216 = tpu.sem_alloc : memref<!tpu.dma_semaphore, #tpu.memory_space<semaphore_mem>>
          %dma_start3A_217 = arith.constant 0 : i32
          %dma_start3A_218 = arith.constant 0 : i32
          %dma_start3A_219 = tpu.memref_slice %arg7[%dma_start3A_217, %dma_start3A_218] : memref<48x128xi32, #tpu.memory_space<vmem>> -> memref<32x128xi32, #tpu.memory_space<vmem>>
          %dma_start3A_220 = arith.constant 0 : i32
          %dma_start3A_221 = tpu.memref_slice %arg3[%add3A_169, %dma_start3A_220] : memref<2560x256xi32, #tpu.memory_space<hbm>> -> memref<32x128xi32, #tpu.memory_space<hbm>>
          %dma_start3A_222 = arith.constant 0 : i32
          %dma_start3A_223 = arith.constant 0 : i32
          %dma_start3A_224 = tpu.memref_slice %arg7[%dma_start3A_222, %dma_start3A_223] : memref<48x128xi32, #tpu.memory_space<vmem>> -> memref<32x128xi32, #tpu.memory_space<vmem>>
          %dma_start3A_225 = arith.constant 0 : i32
          %dma_start3A_226 = tpu.memref_slice %arg3[%add3A_169, %dma_start3A_225] : memref<2560x256xi32, #tpu.memory_space<hbm>> -> memref<32x128xi32, #tpu.memory_space<hbm>>
          tpu.enqueue_dma source(%dma_start3A_226 : memref<32x128xi32, #tpu.memory_space<hbm>>) target(%dma_start3A_224 : memref<32x128xi32, #tpu.memory_space<vmem>>) target_semaphore(%run_scoped3A_216 : memref<!tpu.dma_semaphore, #tpu.memory_space<semaphore_mem>>)
          %dma_wait3A_227 = arith.constant 0 : i32
          %dma_wait3A_228 = arith.constant 0 : i32
          %dma_wait3A_229 = tpu.memref_slice %arg7[%dma_wait3A_227, %dma_wait3A_228] : memref<48x128xi32, #tpu.memory_space<vmem>> -> memref<32x128xi32, #tpu.memory_space<vmem>>
          %dma_wait3A_230 = arith.constant 0 : i32
          %dma_wait3A_231 = tpu.memref_slice %arg3[%add3A_169, %dma_wait3A_230] : memref<2560x256xi32, #tpu.memory_space<hbm>> -> memref<32x128xi32, #tpu.memory_space<hbm>>
          %dma_wait3A_232 = arith.constant 0 : i32
          %dma_wait3A_233 = arith.constant 0 : i32
          %dma_wait3A_234 = tpu.memref_slice %arg7[%dma_wait3A_232, %dma_wait3A_233] : memref<48x128xi32, #tpu.memory_space<vmem>> -> memref<32x128xi32, #tpu.memory_space<vmem>>
          %dma_wait3A_235 = arith.constant 0 : i32
          %dma_wait3A_236 = tpu.memref_slice %arg3[%add3A_169, %dma_wait3A_235] : memref<2560x256xi32, #tpu.memory_space<hbm>> -> memref<32x128xi32, #tpu.memory_space<hbm>>
          tpu.wait_dma2 semaphore(%run_scoped3A_216 : memref<!tpu.dma_semaphore, #tpu.memory_space<semaphore_mem>>) src(%dma_wait3A_236 : memref<32x128xi32, #tpu.memory_space<hbm>>) dst(%dma_wait3A_234 : memref<32x128xi32, #tpu.memory_space<vmem>>)
          tpu.yield
        }) : () -> ()
        %add3A_170 = arith.constant 48 : i32
        %add3A_171 = arith.addi %mul3A_75, %add3A_170 : i32
        "tpu.region"() ({
          %run_scoped3A_216 = tpu.sem_alloc : memref<!tpu.dma_semaphore, #tpu.memory_space<semaphore_mem>>
          %dma_start3A_217 = arith.constant 0 : i32
          %dma_start3A_218 = arith.constant 0 : i32
          %dma_start3A_219 = tpu.memref_slice %arg8[%dma_start3A_217, %dma_start3A_218] : memref<48x128xi32, #tpu.memory_space<vmem>> -> memref<32x128xi32, #tpu.memory_space<vmem>>
          %dma_start3A_220 = arith.constant 128 : i32
          %dma_start3A_221 = tpu.memref_slice %arg3[%add3A_171, %dma_start3A_220] : memref<2560x256xi32, #tpu.memory_space<hbm>> -> memref<32x128xi32, #tpu.memory_space<hbm>>
          %dma_start3A_222 = arith.constant 0 : i32
          %dma_start3A_223 = arith.constant 0 : i32
          %dma_start3A_224 = tpu.memref_slice %arg8[%dma_start3A_222, %dma_start3A_223] : memref<48x128xi32, #tpu.memory_space<vmem>> -> memref<32x128xi32, #tpu.memory_space<vmem>>
          %dma_start3A_225 = arith.constant 128 : i32
          %dma_start3A_226 = tpu.memref_slice %arg3[%add3A_171, %dma_start3A_225] : memref<2560x256xi32, #tpu.memory_space<hbm>> -> memref<32x128xi32, #tpu.memory_space<hbm>>
          tpu.enqueue_dma source(%dma_start3A_226 : memref<32x128xi32, #tpu.memory_space<hbm>>) target(%dma_start3A_224 : memref<32x128xi32, #tpu.memory_space<vmem>>) target_semaphore(%run_scoped3A_216 : memref<!tpu.dma_semaphore, #tpu.memory_space<semaphore_mem>>)
          %dma_wait3A_227 = arith.constant 0 : i32
          %dma_wait3A_228 = arith.constant 0 : i32
          %dma_wait3A_229 = tpu.memref_slice %arg8[%dma_wait3A_227, %dma_wait3A_228] : memref<48x128xi32, #tpu.memory_space<vmem>> -> memref<32x128xi32, #tpu.memory_space<vmem>>
          %dma_wait3A_230 = arith.constant 128 : i32
          %dma_wait3A_231 = tpu.memref_slice %arg3[%add3A_171, %dma_wait3A_230] : memref<2560x256xi32, #tpu.memory_space<hbm>> -> memref<32x128xi32, #tpu.memory_space<hbm>>
          %dma_wait3A_232 = arith.constant 0 : i32
          %dma_wait3A_233 = arith.constant 0 : i32
          %dma_wait3A_234 = tpu.memref_slice %arg8[%dma_wait3A_232, %dma_wait3A_233] : memref<48x128xi32, #tpu.memory_space<vmem>> -> memref<32x128xi32, #tpu.memory_space<vmem>>
          %dma_wait3A_235 = arith.constant 128 : i32
          %dma_wait3A_236 = tpu.memref_slice %arg3[%add3A_171, %dma_wait3A_235] : memref<2560x256xi32, #tpu.memory_space<hbm>> -> memref<32x128xi32, #tpu.memory_space<hbm>>
          tpu.wait_dma2 semaphore(%run_scoped3A_216 : memref<!tpu.dma_semaphore, #tpu.memory_space<semaphore_mem>>) src(%dma_wait3A_236 : memref<32x128xi32, #tpu.memory_space<hbm>>) dst(%dma_wait3A_234 : memref<32x128xi32, #tpu.memory_space<vmem>>)
          tpu.yield
        }) : () -> ()
        %add3A_172 = arith.constant 1 : i32
        %add3A_173 = arith.addi %scan3A_99, %add3A_172 : i32
        %jit3A_174 = arith.constant 48 : i32
        %eq3A_175 = arith.constant 0 : i32
        %eq3A_176 = arith.cmpi eq, %jit3A_174, %eq3A_175 : i32
        %jit3A_177 = arith.constant 1 : i32
        %select_n3A_178 = arith.select %eq3A_176, %jit3A_177, %jit3A_174 : i32
        %rem3A_179 = arith.remsi %add3A_173, %select_n3A_178 : i32
        %ne3A_180 = arith.constant 0 : i32
        %ne3A_181 = arith.cmpi ne, %rem3A_179, %ne3A_180 : i32
        %lt3A_182 = arith.constant 0 : i32
        %lt3A_183 = arith.cmpi slt, %rem3A_179, %lt3A_182 : i32
        %lt3A_184 = arith.constant 0 : i32
        %lt3A_185 = arith.cmpi slt, %select_n3A_178, %lt3A_184 : i32
        %ne3A_186 = arith.xori %lt3A_183, %lt3A_185 : i1
        %and3A_187 = arith.andi %ne3A_186, %ne3A_181 : i1
        %add3A_188 = arith.addi %rem3A_179, %select_n3A_178 : i32
        %select_n3A_189 = arith.select %and3A_187, %add3A_188, %rem3A_179 : i32
        %jit3A_190 = arith.constant 2 : i32
        %eq3A_191 = arith.constant 0 : i32
        %eq3A_192 = arith.cmpi eq, %jit3A_190, %eq3A_191 : i32
        %jit3A_193 = arith.constant 1 : i32
        %select_n3A_194 = arith.select %eq3A_192, %jit3A_193, %jit3A_190 : i32
        %rem3A_195 = arith.remsi %add3A_173, %select_n3A_194 : i32
        %ne3A_196 = arith.constant 0 : i32
        %ne3A_197 = arith.cmpi ne, %rem3A_195, %ne3A_196 : i32
        %lt3A_198 = arith.constant 0 : i32
        %lt3A_199 = arith.cmpi slt, %rem3A_195, %lt3A_198 : i32
        %lt3A_200 = arith.constant 0 : i32
        %lt3A_201 = arith.cmpi slt, %select_n3A_194, %lt3A_200 : i32
        %ne3A_202 = arith.xori %lt3A_199, %lt3A_201 : i1
        %and3A_203 = arith.andi %ne3A_202, %ne3A_197 : i1
        %add3A_204 = arith.addi %rem3A_195, %select_n3A_194 : i32
        %select_n3A_205 = arith.select %and3A_203, %add3A_204, %rem3A_195 : i32
        %dma_start3A_206 = arith.constant 0 : i32
        %dma_start3A_207 = arith.constant 0 : i32
        %dma_start3A_208 = tpu.memref_slice %arg9[%select_n3A_205, %dma_start3A_206, %dma_start3A_207] : memref<2x128x128xf32, #tpu.memory_space<vmem>> -> memref<1x128x128xf32, #tpu.memory_space<vmem>>
        %dma_start3A_209 = tpu.memref_squeeze %dma_start3A_208 : memref<1x128x128xf32, #tpu.memory_space<vmem>> -> memref<128x128xf32, #tpu.memory_space<vmem>>
        %dma_start3A_210 = arith.constant 0 : i32
        %dma_start3A_211 = tpu.memref_slice %arg7[%select_n3A_189, %dma_start3A_210] : memref<48x128xi32, #tpu.memory_space<vmem>> -> memref<1x128xi32, #tpu.memory_space<vmem>>
        %dma_start3A_212 = tpu.memref_squeeze %dma_start3A_211 : memref<1x128xi32, #tpu.memory_space<vmem>> -> memref<128xi32, #tpu.memory_space<vmem>>
        %dma_start3A_213 = arith.constant 0 : i32
        %dma_start3A_214 = arith.constant 0 : i32
        %dma_start3A_215 = tpu.memref_slice %arg2[%dma_start3A_213, %dma_start3A_214] : memref<10000x128xf32, #tpu.memory_space<hbm>> -> memref<10000x128xf32, #tpu.memory_space<hbm>>
        tpu.enqueue_indirect_dma source(%dma_start3A_215 : memref<10000x128xf32, #tpu.memory_space<hbm>>) target(%dma_start3A_209 : memref<128x128xf32, #tpu.memory_space<vmem>>) offsets(%dma_start3A_212 : memref<128xi32, #tpu.memory_space<vmem>>) semaphore(%arg13 : memref<!tpu.dma_semaphore, #tpu.memory_space<semaphore_mem>>)
      } else {
      }
      %jit3A = arith.constant 2 : i32
      %eq3A_123 = arith.constant 0 : i32
      %eq3A_124 = arith.cmpi eq, %jit3A, %eq3A_123 : i32
      %jit3A_125 = arith.constant 1 : i32
      %select_n3A = arith.select %eq3A_124, %jit3A_125, %jit3A : i32
      %rem3A = arith.remsi %scan3A_99, %select_n3A : i32
      %ne3A_126 = arith.constant 0 : i32
      %ne3A_127 = arith.cmpi ne, %rem3A, %ne3A_126 : i32
      %lt3A_128 = arith.constant 0 : i32
      %lt3A_129 = arith.cmpi slt, %rem3A, %lt3A_128 : i32
      %lt3A_130 = arith.constant 0 : i32
      %lt3A_131 = arith.cmpi slt, %select_n3A, %lt3A_130 : i32
      %ne3A_132 = arith.xori %lt3A_129, %lt3A_131 : i1
      %and3A_133 = arith.andi %ne3A_132, %ne3A_127 : i1
      %add3A_134 = arith.addi %rem3A, %select_n3A : i32
      %select_n3A_135 = arith.select %and3A_133, %add3A_134, %rem3A : i32
      %jit3A_136 = arith.constant 48 : i32
      %eq3A_137 = arith.constant 0 : i32
      %eq3A_138 = arith.cmpi eq, %jit3A_136, %eq3A_137 : i32
      %jit3A_139 = arith.constant 1 : i32
      %select_n3A_140 = arith.select %eq3A_138, %jit3A_139, %jit3A_136 : i32
      %rem3A_141 = arith.remsi %scan3A_99, %select_n3A_140 : i32
      %ne3A_142 = arith.constant 0 : i32
      %ne3A_143 = arith.cmpi ne, %rem3A_141, %ne3A_142 : i32
      %lt3A_144 = arith.constant 0 : i32
      %lt3A_145 = arith.cmpi slt, %rem3A_141, %lt3A_144 : i32
      %lt3A_146 = arith.constant 0 : i32
      %lt3A_147 = arith.cmpi slt, %select_n3A_140, %lt3A_146 : i32
      %ne3A_148 = arith.xori %lt3A_145, %lt3A_147 : i1
      %and3A_149 = arith.andi %ne3A_148, %ne3A_143 : i1
      %add3A_150 = arith.addi %rem3A_141, %select_n3A_140 : i32
      %select_n3A_151 = arith.select %and3A_149, %add3A_150, %rem3A_141 : i32
      "tpu.region"() ({
        %run_scoped3A_168 = tpu.sem_alloc : memref<!tpu.dma_semaphore, #tpu.memory_space<semaphore_mem>>
        %dma_start3A_169 = arith.constant 0 : i32
        %dma_start3A_170 = arith.constant 0 : i32
        %dma_start3A_171 = tpu.memref_slice %arg9[%select_n3A_135, %dma_start3A_169, %dma_start3A_170] : memref<2x128x128xf32, #tpu.memory_space<vmem>> -> memref<1x128x128xf32, #tpu.memory_space<vmem>>
        %dma_start3A_172 = tpu.memref_squeeze %dma_start3A_171 : memref<1x128x128xf32, #tpu.memory_space<vmem>> -> memref<128x128xf32, #tpu.memory_space<vmem>>
        %dma_start3A_173 = arith.constant 0 : i32
        %dma_start3A_174 = tpu.memref_slice %arg8[%select_n3A_151, %dma_start3A_173] : memref<48x128xi32, #tpu.memory_space<vmem>> -> memref<1x128xi32, #tpu.memory_space<vmem>>
        %dma_start3A_175 = tpu.memref_squeeze %dma_start3A_174 : memref<1x128xi32, #tpu.memory_space<vmem>> -> memref<128xi32, #tpu.memory_space<vmem>>
        %dma_start3A_176 = arith.constant 0 : i32
        %dma_start3A_177 = arith.constant 0 : i32
        %dma_start3A_178 = tpu.memref_slice %arg11[%dma_start3A_176, %dma_start3A_177] : memref<10256x128xf32, #tpu.memory_space<vmem_shared>> -> memref<10256x128xf32, #tpu.memory_space<vmem_shared>>
        tpu.enqueue_indirect_dma source(%dma_start3A_172 : memref<128x128xf32, #tpu.memory_space<vmem>>) target(%dma_start3A_178 : memref<10256x128xf32, #tpu.memory_space<vmem_shared>>) offsets(%dma_start3A_175 : memref<128xi32, #tpu.memory_space<vmem>>) semaphore(%run_scoped3A_168 : memref<!tpu.dma_semaphore, #tpu.memory_space<semaphore_mem>>) {add = true}
        %dma_wait3A_179 = arith.constant 0 : i32
        %dma_wait3A_180 = arith.constant 0 : i32
        %dma_wait3A_181 = tpu.memref_slice %arg9[%select_n3A_135, %dma_wait3A_179, %dma_wait3A_180] : memref<2x128x128xf32, #tpu.memory_space<vmem>> -> memref<1x128x128xf32, #tpu.memory_space<vmem>>
        %dma_wait3A_182 = tpu.memref_squeeze %dma_wait3A_181 : memref<1x128x128xf32, #tpu.memory_space<vmem>> -> memref<128x128xf32, #tpu.memory_space<vmem>>
        %dma_wait3A_183 = arith.constant 0 : i32
        %dma_wait3A_184 = tpu.memref_slice %arg8[%select_n3A_151, %dma_wait3A_183] : memref<48x128xi32, #tpu.memory_space<vmem>> -> memref<1x128xi32, #tpu.memory_space<vmem>>
        %dma_wait3A_185 = tpu.memref_squeeze %dma_wait3A_184 : memref<1x128xi32, #tpu.memory_space<vmem>> -> memref<128xi32, #tpu.memory_space<vmem>>
        %dma_wait3A_186 = arith.constant 0 : i32
        %dma_wait3A_187 = arith.constant 0 : i32
        %dma_wait3A_188 = tpu.memref_slice %arg11[%dma_wait3A_186, %dma_wait3A_187] : memref<10256x128xf32, #tpu.memory_space<vmem_shared>> -> memref<10256x128xf32, #tpu.memory_space<vmem_shared>>
        tpu.wait_indirect_dma semaphore(%run_scoped3A_168 : memref<!tpu.dma_semaphore, #tpu.memory_space<semaphore_mem>>) src(%dma_wait3A_182 : memref<128x128xf32, #tpu.memory_space<vmem>>) dst(%dma_wait3A_188 : memref<10256x128xf32, #tpu.memory_space<vmem_shared>>)
        tpu.yield
      }) : () -> ()
      %jit3A_152 = arith.constant 48 : i32
      %eq3A_153 = arith.constant 0 : i32
      %eq3A_154 = arith.cmpi eq, %jit3A_152, %eq3A_153 : i32
      %jit3A_155 = arith.constant 1 : i32
      %select_n3A_156 = arith.select %eq3A_154, %jit3A_155, %jit3A_152 : i32
      %rem3A_157 = arith.remsi %scan3A_99, %select_n3A_156 : i32
      %ne3A_158 = arith.constant 0 : i32
      %ne3A_159 = arith.cmpi ne, %rem3A_157, %ne3A_158 : i32
      %lt3A_160 = arith.constant 0 : i32
      %lt3A_161 = arith.cmpi slt, %rem3A_157, %lt3A_160 : i32
      %lt3A_162 = arith.constant 0 : i32
      %lt3A_163 = arith.cmpi slt, %select_n3A_156, %lt3A_162 : i32
      %ne3A_164 = arith.xori %lt3A_161, %lt3A_163 : i1
      %and3A_165 = arith.andi %ne3A_164, %ne3A_159 : i1
      %add3A_166 = arith.addi %rem3A_157, %select_n3A_156 : i32
      %select_n3A_167 = arith.select %and3A_165, %add3A_166, %rem3A_157 : i32
      "tpu.region"() ({
        %run_scoped3A_168 = tpu.sem_alloc : memref<!tpu.dma_semaphore, #tpu.memory_space<semaphore_mem>>
        %dma_start3A_169 = arith.constant 0 : i32
        %dma_start3A_170 = tpu.memref_slice %arg8[%select_n3A_167, %dma_start3A_169] : memref<48x128xi32, #tpu.memory_space<vmem>> -> memref<1x128xi32, #tpu.memory_space<vmem>>
        %dma_start3A_171 = tpu.memref_squeeze %dma_start3A_170 : memref<1x128xi32, #tpu.memory_space<vmem>> -> memref<128xi32, #tpu.memory_space<vmem>>
        %dma_start3A_172 = arith.constant 0 : i32
        %dma_start3A_173 = tpu.memref_slice %arg12[%dma_start3A_172] : memref<10256xf32, #tpu.memory_space<vmem_shared>> -> memref<10256xf32, #tpu.memory_space<vmem_shared>>
        tpu.enqueue_indirect_dma source(%arg10 : memref<128xf32, #tpu.memory_space<vmem>>) target(%dma_start3A_173 : memref<10256xf32, #tpu.memory_space<vmem_shared>>) offsets(%dma_start3A_171 : memref<128xi32, #tpu.memory_space<vmem>>) semaphore(%run_scoped3A_168 : memref<!tpu.dma_semaphore, #tpu.memory_space<semaphore_mem>>) {add = true}
        %dma_wait3A_174 = arith.constant 0 : i32
        %dma_wait3A_175 = tpu.memref_slice %arg8[%select_n3A_167, %dma_wait3A_174] : memref<48x128xi32, #tpu.memory_space<vmem>> -> memref<1x128xi32, #tpu.memory_space<vmem>>
        %dma_wait3A_176 = tpu.memref_squeeze %dma_wait3A_175 : memref<1x128xi32, #tpu.memory_space<vmem>> -> memref<128xi32, #tpu.memory_space<vmem>>
        %dma_wait3A_177 = arith.constant 0 : i32
        %dma_wait3A_178 = tpu.memref_slice %arg12[%dma_wait3A_177] : memref<10256xf32, #tpu.memory_space<vmem_shared>> -> memref<10256xf32, #tpu.memory_space<vmem_shared>>
        tpu.wait_indirect_dma semaphore(%run_scoped3A_168 : memref<!tpu.dma_semaphore, #tpu.memory_space<semaphore_mem>>) src(%arg10 : memref<128xf32, #tpu.memory_space<vmem>>) dst(%dma_wait3A_178 : memref<10256xf32, #tpu.memory_space<vmem_shared>>)
        tpu.yield
      }) : () -> ()
    }
    %scan3A_92 = arith.constant 80 : i32
    %barrier3A_93 = arith.constant 0 : index
    tpu.barrier barrier_id(%barrier3A_93)
    %eq3A_94 = arith.constant 0 : i32
    %eq3A_95 = arith.cmpi eq, %arg1, %eq3A_94 : i32
    %convert_element_type3A_96 = arith.extui %eq3A_95 : i1 to i32
    %cond3A_97 = arith.constant 0 : i32
    %cond3A_98 = arith.cmpi ne, %convert_element_type3A_96, %cond3A_97 : i32
    scf.if %cond3A_98 {
      "tpu.region"() ({
        %run_scoped3A_99 = tpu.sem_alloc : memref<!tpu.dma_semaphore, #tpu.memory_space<semaphore_mem>>
        %dma_start3A_100 = arith.constant 0 : i32
        %dma_start3A_101 = arith.constant 0 : i32
        %dma_start3A_102 = tpu.memref_slice %arg5[%arg0, %dma_start3A_100, %dma_start3A_101] : memref<2x10240x128xf32, #tpu.memory_space<hbm>> -> memref<1x10240x128xf32, #tpu.memory_space<hbm>>
        %dma_start3A_103 = tpu.memref_squeeze %dma_start3A_102 : memref<1x10240x128xf32, #tpu.memory_space<hbm>> -> memref<10240x128xf32, #tpu.memory_space<hbm>>
        %dma_start3A_104 = arith.constant 0 : i32
        %dma_start3A_105 = arith.constant 0 : i32
        %dma_start3A_106 = tpu.memref_slice %arg11[%dma_start3A_104, %dma_start3A_105] : memref<10256x128xf32, #tpu.memory_space<vmem_shared>> -> memref<10240x128xf32, #tpu.memory_space<vmem_shared>>
        tpu.enqueue_dma source(%dma_start3A_106 : memref<10240x128xf32, #tpu.memory_space<vmem_shared>>) target(%dma_start3A_103 : memref<10240x128xf32, #tpu.memory_space<hbm>>) target_semaphore(%run_scoped3A_99 : memref<!tpu.dma_semaphore, #tpu.memory_space<semaphore_mem>>)
        %dma_wait3A = arith.constant 0 : i32
        %dma_wait3A_107 = arith.constant 0 : i32
        %dma_wait3A_108 = tpu.memref_slice %arg5[%arg0, %dma_wait3A, %dma_wait3A_107] : memref<2x10240x128xf32, #tpu.memory_space<hbm>> -> memref<1x10240x128xf32, #tpu.memory_space<hbm>>
        %dma_wait3A_109 = tpu.memref_squeeze %dma_wait3A_108 : memref<1x10240x128xf32, #tpu.memory_space<hbm>> -> memref<10240x128xf32, #tpu.memory_space<hbm>>
        %dma_wait3A_110 = arith.constant 0 : i32
        %dma_wait3A_111 = arith.constant 0 : i32
        %dma_wait3A_112 = tpu.memref_slice %arg11[%dma_wait3A_110, %dma_wait3A_111] : memref<10256x128xf32, #tpu.memory_space<vmem_shared>> -> memref<10240x128xf32, #tpu.memory_space<vmem_shared>>
        tpu.wait_dma2 semaphore(%run_scoped3A_99 : memref<!tpu.dma_semaphore, #tpu.memory_space<semaphore_mem>>) src(%dma_wait3A_112 : memref<10240x128xf32, #tpu.memory_space<vmem_shared>>) dst(%dma_wait3A_109 : memref<10240x128xf32, #tpu.memory_space<hbm>>)
        tpu.yield
      }) : () -> ()
      "tpu.region"() ({
        %run_scoped3A_99 = tpu.sem_alloc : memref<!tpu.dma_semaphore, #tpu.memory_space<semaphore_mem>>
        %dma_start3A_100 = arith.constant 0 : i32
        %dma_start3A_101 = tpu.memref_slice %arg6[%arg0, %dma_start3A_100] : memref<2x10240xf32, #tpu.memory_space<hbm>> -> memref<1x10240xf32, #tpu.memory_space<hbm>>
        %dma_start3A_102 = tpu.memref_squeeze %dma_start3A_101 : memref<1x10240xf32, #tpu.memory_space<hbm>> -> memref<10240xf32, #tpu.memory_space<hbm>>
        %dma_start3A_103 = arith.constant 0 : i32
        %dma_start3A_104 = tpu.memref_slice %arg12[%dma_start3A_103] : memref<10256xf32, #tpu.memory_space<vmem_shared>> -> memref<10240xf32, #tpu.memory_space<vmem_shared>>
        tpu.enqueue_dma source(%dma_start3A_104 : memref<10240xf32, #tpu.memory_space<vmem_shared>>) target(%dma_start3A_102 : memref<10240xf32, #tpu.memory_space<hbm>>) target_semaphore(%run_scoped3A_99 : memref<!tpu.dma_semaphore, #tpu.memory_space<semaphore_mem>>)
        %dma_wait3A = arith.constant 0 : i32
        %dma_wait3A_105 = tpu.memref_slice %arg6[%arg0, %dma_wait3A] : memref<2x10240xf32, #tpu.memory_space<hbm>> -> memref<1x10240xf32, #tpu.memory_space<hbm>>
        %dma_wait3A_106 = tpu.memref_squeeze %dma_wait3A_105 : memref<1x10240xf32, #tpu.memory_space<hbm>> -> memref<10240xf32, #tpu.memory_space<hbm>>
        %dma_wait3A_107 = arith.constant 0 : i32
        %dma_wait3A_108 = tpu.memref_slice %arg12[%dma_wait3A_107] : memref<10256xf32, #tpu.memory_space<vmem_shared>> -> memref<10240xf32, #tpu.memory_space<vmem_shared>>
        tpu.wait_dma2 semaphore(%run_scoped3A_99 : memref<!tpu.dma_semaphore, #tpu.memory_space<semaphore_mem>>) src(%dma_wait3A_108 : memref<10240xf32, #tpu.memory_space<vmem_shared>>) dst(%dma_wait3A_106 : memref<10240xf32, #tpu.memory_space<hbm>>)
        tpu.yield
      }) : () -> ()
    } else {
    }
    return
  }
}

module attributes {stable_mosaic.version = 14 : i64} {
  func.func @_tc_body(%arg0: i32, %arg1: memref<2x10240xf32, #tpu.memory_space<vmem>>, %arg2: memref<2x5120x128xf32, #tpu.memory_space<vmem>>, %arg3: memref<128x16xf32, #tpu.memory_space<vmem>>, %arg4: memref<8x16xf32, #tpu.memory_space<vmem>>, %arg5: memref<5120x16xf32, #tpu.memory_space<vmem>>) attributes {dimension_semantics = [#tpu.dimension_semantics<arbitrary>], iteration_bounds = array<i64: 2>, scalar_prefetch = 0 : i64, scratch_operands = 0 : i64, tpu.core_type = #tpu.core_type<tc>, window_params = [{pipeline_mode = #tpu.pipeline_mode<synchronous>, transform_indices = @transform_0, window_bounds = array<i64: 2, 10240>}, {transform_indices = @transform_1, window_bounds = array<i64: 2, 5120, 128>}, {pipeline_mode = #tpu.pipeline_mode<synchronous>, transform_indices = @transform_2, window_bounds = array<i64: 128, 16>}, {pipeline_mode = #tpu.pipeline_mode<synchronous>, transform_indices = @transform_3, window_bounds = array<i64: 8, 16>}, {transform_indices = @transform_4, window_bounds = array<i64: 5120, 16>}]} {
    %get3A = arith.constant 0 : index
    %get3A_0 = arith.constant 0 : index
    %get3A_1 = vector.load %arg1[%get3A, %get3A_0] : memref<2x10240xf32, #tpu.memory_space<vmem>>, vector<1x10240xf32>
    %get3A_2 = vector.shape_cast %get3A_1 : vector<1x10240xf32> to vector<10240xf32>
    %get3A_3 = arith.constant 1 : index
    %get3A_4 = arith.constant 0 : index
    %get3A_5 = vector.load %arg1[%get3A_3, %get3A_4] : memref<2x10240xf32, #tpu.memory_space<vmem>>, vector<1x10240xf32>
    %get3A_6 = vector.shape_cast %get3A_5 : vector<1x10240xf32> to vector<10240xf32>
    %add3A = arith.addf %get3A_2, %get3A_6 : vector<10240xf32>
    %reduce_max3A = vector.shape_cast %add3A : vector<10240xf32> to vector<1x10240xf32>
    %reduce_max3A_7 = arith.constant dense<0xFF800000> : vector<1xf32>
    %reduce_max3A_8 = vector.multi_reduction <maximumf>, %reduce_max3A, %reduce_max3A_7 [1] : vector<1x10240xf32> to vector<1xf32>
    %reduce_max3A_9 = vector.shape_cast %reduce_max3A_8 : vector<1xf32> to vector<1x1xf32>
    %reduce_max3A_10 = vector.extract %reduce_max3A_9[0, 0] : f32 from vector<1x1xf32>
    %max3A = arith.constant 1.000000e+00 : f32
    %max3A_11 = arith.maximumf %reduce_max3A_10, %max3A : f32
    %mul3A = arith.constant 5120 : i32
    %mul3A_12 = arith.muli %arg0, %mul3A : i32
    %get3A_13 = arith.constant 0 : index
    %get3A_14 = arith.index_cast %mul3A_12 : i32 to index
    %get3A_15 = vector.load %arg1[%get3A_13, %get3A_14] : memref<2x10240xf32, #tpu.memory_space<vmem>>, vector<1x5120xf32>
    %get3A_16 = vector.shape_cast %get3A_15 : vector<1x5120xf32> to vector<5120xf32>
    %mul3A_17 = arith.constant 5120 : i32
    %mul3A_18 = arith.muli %arg0, %mul3A_17 : i32
    %get3A_19 = arith.constant 1 : index
    %get3A_20 = arith.index_cast %mul3A_18 : i32 to index
    %get3A_21 = vector.load %arg1[%get3A_19, %get3A_20] : memref<2x10240xf32, #tpu.memory_space<vmem>>, vector<1x5120xf32>
    %get3A_22 = vector.shape_cast %get3A_21 : vector<1x5120xf32> to vector<5120xf32>
    %add3A_23 = arith.addf %get3A_16, %get3A_22 : vector<5120xf32>
    %reshape3A = vector.shape_cast %add3A_23 : vector<5120xf32> to vector<5120x1xf32>
    %max3A_24 = arith.constant 1.000000e+00 : f32
    %max3A_25 = vector.broadcast %max3A_24 : f32 to vector<5120x1xf32>
    %max3A_26 = arith.maximumf %reshape3A, %max3A_25 : vector<5120x1xf32>
    %div3A = arith.constant 1.000000e+00 : f32
    %div3A_27 = vector.broadcast %div3A : f32 to vector<5120x1xf32>
    %div3A_28 = arith.divf %div3A_27, %max3A_26 : vector<5120x1xf32>
    %get3A_29 = arith.constant 0 : index
    %get3A_30 = arith.constant 0 : index
    %get3A_31 = arith.constant 0 : index
    %get3A_32 = vector.load %arg2[%get3A_29, %get3A_30, %get3A_31] : memref<2x5120x128xf32, #tpu.memory_space<vmem>>, vector<1x5120x128xf32>
    %get3A_33 = vector.shape_cast %get3A_32 : vector<1x5120x128xf32> to vector<5120x128xf32>
    %get3A_34 = arith.constant 1 : index
    %get3A_35 = arith.constant 0 : index
    %get3A_36 = arith.constant 0 : index
    %get3A_37 = vector.load %arg2[%get3A_34, %get3A_35, %get3A_36] : memref<2x5120x128xf32, #tpu.memory_space<vmem>>, vector<1x5120x128xf32>
    %get3A_38 = vector.shape_cast %get3A_37 : vector<1x5120x128xf32> to vector<5120x128xf32>
    %add3A_39 = arith.addf %get3A_33, %get3A_38 : vector<5120x128xf32>
    %mul3A_40 = arith.mulf %add3A_39, %add3A_39 : vector<5120x128xf32>
    %reduce_sum3A = arith.constant dense<0.000000e+00> : vector<5120xf32>
    %reduce_sum3A_41 = vector.multi_reduction <add>, %mul3A_40, %reduce_sum3A [1] : vector<5120x128xf32> to vector<5120xf32>
    %broadcast_in_dim3A = vector.shape_cast %reduce_sum3A_41 : vector<5120xf32> to vector<5120x1xf32>
    %mul3A_42 = arith.mulf %broadcast_in_dim3A, %div3A_28 : vector<5120x1xf32>
    %mul3A_43 = arith.mulf %mul3A_42, %div3A_28 : vector<5120x1xf32>
    %get3A_44 = arith.constant 0 : index
    %get3A_45 = arith.constant 0 : index
    %get3A_46 = vector.load %arg3[%get3A_44, %get3A_45] : memref<128x16xf32, #tpu.memory_space<vmem>>, vector<128x16xf32>
    %dot_general3A = arith.constant dense<0.000000e+00> : vector<5120x16xf32>
    %dot_general3A_47 = tpu.matmul %add3A_39, %get3A_46, %dot_general3A {dimension_numbers = #tpu.dot_dimension_numbers<[1], [0], [0], [1], [0, 0, 1, 1], [], []>, transpose_lhs_hint = false} : vector<5120x128xf32>, vector<128x16xf32>, vector<5120x16xf32> -> vector<5120x16xf32>
    %mul3A_48 = vector.broadcast %div3A_28 : vector<5120x1xf32> to vector<5120x16xf32>
    %mul3A_49 = arith.mulf %dot_general3A_47, %mul3A_48 : vector<5120x16xf32>
    %get3A_50 = arith.constant 0 : index
    %get3A_51 = arith.constant 0 : index
    %get3A_52 = vector.load %arg4[%get3A_50, %get3A_51] : memref<8x16xf32, #tpu.memory_space<vmem>>, vector<1x16xf32>
    %mul3A_53 = arith.constant 1.000000e-01 : f32
    %mul3A_54 = vector.broadcast %mul3A_53 : f32 to vector<1x16xf32>
    %mul3A_55 = arith.mulf %mul3A_54, %get3A_52 : vector<1x16xf32>
    %add3A_56 = vector.broadcast %mul3A_43 : vector<5120x1xf32> to vector<5120x16xf32>
    %add3A_57 = vector.broadcast %mul3A_55 : vector<1x16xf32> to vector<5120x16xf32>
    %add3A_58 = arith.addf %add3A_56, %add3A_57 : vector<5120x16xf32>
    %mul3A_59 = arith.constant 2.000000e-01 : f32
    %mul3A_60 = vector.broadcast %mul3A_59 : f32 to vector<5120x16xf32>
    %mul3A_61 = arith.mulf %mul3A_60, %mul3A_49 : vector<5120x16xf32>
    %sub3A = arith.subf %add3A_58, %mul3A_61 : vector<5120x16xf32>
    %div3A_62 = vector.broadcast %max3A_11 : f32 to vector<5120x1xf32>
    %div3A_63 = arith.divf %reshape3A, %div3A_62 : vector<5120x1xf32>
    %mul3A_64 = arith.mulf %div3A_63, %div3A_63 : vector<5120x1xf32>
    %mul3A_65 = arith.constant 1.000000e+02 : f32
    %mul3A_66 = vector.broadcast %mul3A_65 : f32 to vector<5120x1xf32>
    %mul3A_67 = arith.mulf %mul3A_64, %mul3A_66 : vector<5120x1xf32>
    %mul3A_68 = arith.constant 2.000000e+00 : f32
    %mul3A_69 = vector.broadcast %mul3A_68 : f32 to vector<5120x1xf32>
    %mul3A_70 = arith.mulf %mul3A_69, %div3A_63 : vector<5120x1xf32>
    %get3A_71 = arith.constant 1 : index
    %get3A_72 = arith.constant 0 : index
    %get3A_73 = vector.load %arg4[%get3A_71, %get3A_72] : memref<8x16xf32, #tpu.memory_space<vmem>>, vector<1x16xf32>
    %mul3A_74 = vector.broadcast %mul3A_70 : vector<5120x1xf32> to vector<5120x16xf32>
    %mul3A_75 = vector.broadcast %get3A_73 : vector<1x16xf32> to vector<5120x16xf32>
    %mul3A_76 = arith.mulf %mul3A_74, %mul3A_75 : vector<5120x16xf32>
    %sub3A_77 = vector.broadcast %mul3A_67 : vector<5120x1xf32> to vector<5120x16xf32>
    %sub3A_78 = arith.subf %sub3A_77, %mul3A_76 : vector<5120x16xf32>
    %get3A_79 = arith.constant 2 : index
    %get3A_80 = arith.constant 0 : index
    %get3A_81 = vector.load %arg4[%get3A_79, %get3A_80] : memref<8x16xf32, #tpu.memory_space<vmem>>, vector<1x16xf32>
    %add3A_82 = vector.broadcast %get3A_81 : vector<1x16xf32> to vector<5120x16xf32>
    %add3A_83 = arith.addf %sub3A_78, %add3A_82 : vector<5120x16xf32>
    %mul3A_84 = arith.constant 0.00999999977 : f32
    %mul3A_85 = vector.broadcast %mul3A_84 : f32 to vector<5120x16xf32>
    %mul3A_86 = arith.mulf %add3A_83, %mul3A_85 : vector<5120x16xf32>
    %mul3A_87 = arith.constant 5.000000e-01 : f32
    %mul3A_88 = vector.broadcast %mul3A_87 : f32 to vector<5120x16xf32>
    %mul3A_89 = arith.mulf %mul3A_88, %sub3A : vector<5120x16xf32>
    %mul3A_90 = arith.constant 5.000000e-01 : f32
    %mul3A_91 = vector.broadcast %mul3A_90 : f32 to vector<5120x16xf32>
    %mul3A_92 = arith.mulf %mul3A_91, %mul3A_86 : vector<5120x16xf32>
    %add3A_93 = arith.addf %mul3A_89, %mul3A_92 : vector<5120x16xf32>
    %swap3A = arith.constant 0 : index
    %swap3A_94 = arith.constant 0 : index
    %swap3A_95 = vector.load %arg5[%swap3A, %swap3A_94] : memref<5120x16xf32, #tpu.memory_space<vmem>>, vector<5120x16xf32>
    tpu.vector_store %arg5[%swap3A, %swap3A_94], %add3A_93 {strides = array<i32>} : memref<5120x16xf32, #tpu.memory_space<vmem>>, vector<5120x16xf32>,
    return
  }
  func.func @transform_0(%arg0: i32) -> (i32, i32) {
    %c0_i32 = arith.constant 0 : i32
    %c0_i32_0 = arith.constant 0 : i32
    %c0_i32_1 = arith.constant 0 : i32
    return %c0_i32, %c0_i32_0 : i32, i32
  }
  func.func @transform_1(%arg0: i32) -> (i32, i32, i32) {
    %c0_i32 = arith.constant 0 : i32
    %c0_i32_0 = arith.constant 0 : i32
    %c0_i32_1 = arith.constant 0 : i32
    return %c0_i32, %arg0, %c0_i32_0 : i32, i32, i32
  }
  func.func @transform_2(%arg0: i32) -> (i32, i32) {
    %c0_i32 = arith.constant 0 : i32
    %c0_i32_0 = arith.constant 0 : i32
    %c0_i32_1 = arith.constant 0 : i32
    return %c0_i32, %c0_i32_0 : i32, i32
  }
  func.func @transform_3(%arg0: i32) -> (i32, i32) {
    %c0_i32 = arith.constant 0 : i32
    %c0_i32_0 = arith.constant 0 : i32
    %c0_i32_1 = arith.constant 0 : i32
    return %c0_i32, %c0_i32_0 : i32, i32
  }
  func.func @transform_4(%arg0: i32) -> (i32, i32) {
    %c0_i32 = arith.constant 0 : i32
    %c0_i32_0 = arith.constant 0 : i32
    return %arg0, %c0_i32 : i32, i32
  }
}

</mosaic_0001>

<sc_bundles>
// kernel: kernel.4.cloned.1.call-start
scs
__scs_entry_jumppad:
0x0: {  	(pc) =	sbr.rel $0x88, $3  }
0x1: {  	(tag) =	ssettag $0x0;
	lr =	simm.s32 $0x1  }
0x2: {  	[smem:$0x3F9D] =	sst lr;
	_ =	strace $0xD0000000  }
0x3: {  	_ = 	snop  }
0x4: {  	_ = 	snop  }
0x5: {  	_ = 	snop  }
0x6: {  	_ = 	snop  }
0x7: {  	_ = 	snop  }
__scs_overlays_trampoline_lowered:
0x8: {  	[smem:$0x3FAC] =	sst s0  }
0x9: {  	[smem:$0x3FAD] =	sst s1  }
0xa: {  	[smem:$0x3FAE] =	sst s2  }
0xb: {  	[smem:$0x3FAF] =	sst s3  }
0xc: {  	[smem:$0x3FB0] =	sst s4  }
0xd: {  	[smem:$0x3FB1] =	sst s5  }
0xe: {  	[smem:$0x3FB2] =	sst s6  }
0xf: {  	[smem:$0x3FB3] =	sst s7  }
0x10: {  	[smem:$0x3FB4] =	sst s8  }
0x11: {  	[smem:$0x3FB5] =	sst s9;
	s0 =	simm.s32 @!p0 $0x0  }
0x12: {  	s1 =	sld [smem:$0x3F9B];
	s0 =	simm.s32 @p0 $0x1  }
0x13: {  	[smem:$0x3FB6] =	sst s0;
	s0 =	simm.s32 @!p1 $0x0  }
0x14: {  	s2 =	sld [smem:$0x3F9A];
	s0 =	simm.s32 @p1 $0x1  }
0x15: {  	[smem:$0x3FB7] =	sst s0;
	s0 =	simm.s32 @!p2 $0x0  }
0x16: {  	s3 =	sld [smem:$0x3FDB];
	s0 =	simm.s32 @p2 $0x1  }
0x17: {  	s4 =	simm.s32 $0x1BF5;
	[smem:$0x3FB9] =	sst s0  }
0x18: {  	s0 =	sld [smem:$0x3F9C];
	_ =	swait.ge [sflag:s4], $0x0  }
0x19: {  	s7 =	sld [smem:$0x3F9D]  }
0x1a: {  	s8 =	sadd.s32 $0xFFFFE003, lr  }
0x1b: {  	s9 =	sadd.s32 $0xFFFFFEF7, lr;
	s5 =	simm.s32 $0xFFFFFFFF;
	p2 =	slt.u32 s8, $0xFFFFF086  }
0x1c: {  	p1 =	slt.u32 s9, $0xF7A;
	s5 =	simm.s32 @!p2 $0x0  }
0x1d: {  	s5 =	simm.s32 @p1 $0x1;
	p0 =	seq.s32 s7, s2  }
0x1e: {  	s7 =	smul.u32 @!p0 $0xF7A, s2;
	p2 =	seq.s32 @!p0 s5, $0x0  }
0x1f: {  	s9 =	smul.u32 $0xF7A, s1;
	s8 =	simm.s32 @!p0 $0x1BF5;
	p2 =	por !p2, p0  }
0x20: {  	[sflag:s8] =	ssyncset.s32 @!p0 $0xFFFFF086;
	s6 =	sadd.s32 @!p0 s3, s7;
	s7 =	simm.s32 @!p0 $0x108  }
0x21: {  	s3 =	sadd.s32 s3, s9;
	s6 =	sadd.s32 @!p0 $0x88, s6;
	s7 =	simm.s32 @p2 $0x1082  }
0x22: {  	[simem:s7], [sflag:s8] =	dma.local @!p0 [hbm:s6], $0xF7A  }
0x23: {  	s9 =	sor.u32 $0xD0000000, s2;
	s6 =	simm.s32 $0x108;
	_ =	swait.ge @!p0 [sflag:s8], $0x0  }
0x24: {  	s3 =	sadd.s32 $0x88, s3;
	s6 =	simm.s32 @!p1 $0x1082;
	[sflag:s4] =	ssyncset.s32 $0xFFFFF086  }
0x25: {  	[simem:s6], [sflag:s4] =	dma.local [hbm:s3], $0xF7A  }
0x26: {  	[smem:$0x3F9D] =	sst s1;
	(tag) =	ssettag s2;
	_ =	strace s9  }
0x27: {  	s1 =	sld [smem:$0x3FAD]  }
0x28: {  	s2 =	sld [smem:$0x3FAE]  }
0x29: {  	s4 =	sld [smem:$0x3FB0]  }
0x2a: {  	p0 =	seq.s32 s5, $0x0;
	s5 =	sld [smem:$0x3FB1]  }
0x2b: {  	s6 =	sld [smem:$0x3FB2]  }
0x2c: {  	s7 =	sld [smem:$0x3FB3]  }
0x2d: {  	s3 =	simm.s32 $0x108;
	s8 =	sld [smem:$0x3FB4]  }
0x2e: {  	s3 =	simm.s32 @!p0 $0x1082;
	s9 =	sld [smem:$0x3FB5]  }
0x2f: {  	lr =	sadd.s32 s0, s3;
	s0 =	sld [smem:$0x3FAC]  }
0x30: {  	s3 =	sld [smem:$0x3FAF]  }
0x31: {  	[smem:$0x3FB8] =	sst s10  }
0x32: {  	s10 =	sld [smem:$0x3FB6];
	_ =	sdelay $0x3  }
0x33: {  	p0 =	seq.s32 s10, $0x1;
	s10 =	sld [smem:$0x3FB8];
	_ =	sdelay $0x3  }
0x34: {  	[smem:$0x3FB8] =	sst s10  }
0x35: {  	s10 =	sld [smem:$0x3FB7];
	_ =	sdelay $0x3  }
0x36: {  	p1 =	seq.s32 s10, $0x1;
	s10 =	sld [smem:$0x3FB8];
	_ =	sdelay $0x3  }
0x37: {  	[smem:$0x3FB8] =	sst s10  }
0x38: {  	s10 =	sld [smem:$0x3FB9]  }
0x39: {  	_ = 	snop;
	(pc) =	sbr.ind lr, $3  }
0x3a: {  	_ = 	snop  }
0x3b: {  	_ = 	snop  }
0x3c: {  	p2 =	seq.s32 s10, $0x1;
	s10 =	sld [smem:$0x3FB8]  }
0x3d: {  	_ =	shalt  }
0x3e: {  	_ =	shalt  }
0x3f: {  	_ =	shalt  }
0x40: {  	_ =	shalt  }
0x41: {  	_ =	shalt  }
0x42: {  	_ =	shalt  }
0x43: {  	_ =	shalt  }
0x44: {  	_ =	shalt  }
0x45: {  	_ =	shalt  }
0x46: {  	_ =	shalt  }
0x47: {  	_ =	shalt  }
0x48: {  	_ =	shalt  }
0x49: {  	_ =	shalt  }
0x4a: {  	_ =	shalt  }
0x4b: {  	_ =	shalt  }
0x4c: {  	_ =	shalt  }
0x4d: {  	_ =	shalt  }
0x4e: {  	_ =	shalt  }
0x4f: {  	_ =	shalt  }
0x50: {  	_ =	shalt  }
0x51: {  	_ =	shalt  }
0x52: {  	_ =	shalt  }
0x53: {  	_ =	shalt  }
0x54: {  	_ =	shalt  }
0x55: {  	_ =	shalt  }
0x56: {  	_ =	shalt  }
0x57: {  	_ =	shalt  }
0x58: {  	_ =	shalt  }
0x59: {  	_ =	shalt  }
0x5a: {  	_ =	shalt  }
0x5b: {  	_ =	shalt  }
0x5c: {  	_ =	shalt  }
0x5d: {  	_ =	shalt  }
0x5e: {  	_ =	shalt  }
0x5f: {  	_ =	shalt  }
0x60: {  	_ =	shalt  }
0x61: {  	_ =	shalt  }
0x62: {  	_ =	shalt  }
0x63: {  	_ =	shalt  }
0x64: {  	_ =	shalt  }
0x65: {  	_ =	shalt  }
0x66: {  	_ =	shalt  }
0x67: {  	_ =	shalt  }
0x68: {  	_ =	shalt  }
0x69: {  	_ =	shalt  }
0x6a: {  	_ =	shalt  }
0x6b: {  	_ =	shalt  }
0x6c: {  	_ =	shalt  }
0x6d: {  	_ =	shalt  }
0x6e: {  	_ =	shalt  }
0x6f: {  	_ =	shalt  }
0x70: {  	_ =	shalt  }
0x71: {  	_ =	shalt  }
0x72: {  	_ =	shalt  }
0x73: {  	_ =	shalt  }
0x74: {  	_ =	shalt  }
0x75: {  	_ =	shalt  }
0x76: {  	_ =	shalt  }
0x77: {  	_ =	shalt  }
0x78: {  	_ =	shalt  }
0x79: {  	_ =	shalt  }
0x7a: {  	_ =	shalt  }
0x7b: {  	_ =	shalt  }
0x7c: {  	_ =	shalt  }
0x7d: {  	_ =	shalt  }
0x7e: {  	_ =	shalt  }
0x7f: {  	_ =	shalt  }
0x80: {  	_ =	shalt  }
0x81: {  	_ =	shalt  }
0x82: {  	_ =	shalt  }
0x83: {  	_ =	shalt  }
0x84: {  	_ =	shalt  }
0x85: {  	_ =	shalt  }
0x86: {  	_ =	shalt  }
0x87: {  	_ =	shalt  }
.Lfunc_end0:
.L_simem_size_0:
called_computation_lowered:
.L_overlay_start_0:
0x88: {  	s2 =	sld [smem:$0x3FD9]  }
0x89: {  	s3 =	sld [smem:$0x3FFE];
	_ =	sdelay $0x1  }
0x8a: {  	s1 =	srdreg.scid  }
0x8b: {  	s0 =	sand.u32 $0x1, s1  }
0x8c: {  	s17 =	sshll.u32 s0, $0xA;
	s2 =	sadd.s32 s3, s2  }
0x8d: {  	s2 =	sadd.s32 s2, s17  }
0x8e: {  	[smem:$0x3FC4] =	sst s2  }
0x8f: {  	_ = 	snop  }
0x90: {  	s2 =	sld [smem:$0x3FC9]  }
0x91: {  	s18 =	sld [smem:$0x3FD0];
	(tm) =	ssettm $0x1  }
0x92: {  	s4 =	sld [smem:$0x3FFB];
	_ =	sdelay $0x3  }
0x93: {  	_ =	strace s4  }
0x94: {  	s4 =	sld [smem:$0x3FFC];
	_ =	sdelay $0x3  }
0x95: {  	_ =	strace s4  }
0x96: {  	s4 =	sld [smem:$0x3FFD];
	_ =	sdelay $0x3  }
0x97: {  	_ =	strace s4  }
0x98: {  	_ =	strace $0x8FFFFFFF  }
0x99: {  	s19 =	sld [smem:$0x3FDB];
	_ =	sdelay $0x1  }
0x9a: {  	s5 =	simm.s32 $_scs_section_size  }
0x9b: {  	s6 =	simm.s32 $_size__tile_overlayer_lowered;
	s7 =	simm.s32 $_tile_overlayer_lowered  }
0x9c: {  	s22 =	simm.s32 $0x1BFF;
	s21 =	sshll.u32 s7, $0x1;
	s4 =	sadd.s32 s5, s19  }
0x9d: {  	s8 =	simm.s32 $0x0;
	s20 =	sshll.u32 s6, $0x1;
	s6 =	sadd.s32 s21, s4  }
0x9e: {  	[timem:s8], [sflag:s22] =	dma.local [hbm:s6], s20  }
0x9f: {  	_ =	swait.ge [sflag:s22], s20  }
0xa0: {  	s5 =	ssub.s32 $0x0, s20;
	[sflag:s22] =	ssyncset.done $0x0  }
0xa1: {  	[sflag:s22] =	ssyncadd.s32 s5;
	_ =	sdelay $0x1  }
0xa2: {  	s23 =	simm.s32 $0x1B8B  }
0xa3: {  	_ =	swait.ge [sflag:s23], $0x1  }
0xa4: {  	[sflag:s23] =	ssyncset.done $0x0  }
0xa5: {  	s25 =	simm.s32 $0x1B8E;
	s24 =	sld [smem:$0x3FFE];
	[sflag:s23] =	ssyncadd.s32 $0xFFFFFFFF  }
0xa6: {  	s26 =	simm.s32 $execute0_lowered;
	[smem:$0x3FD2] =	sst s25  }
0xa7: {  	s6 =	sshll.u32 s26, $0x1;
	_ =	strace $0x80000046;
	[dreg:$0x1] =	wrdreg $0xFFFFFFFF  }
0xa8: {  	s28 =	simm.s32 $_size_execute0_lowered;
	s4 =	sadd.s32 s4, s6;
	[dreg:$0x0] =	wrdreg $0x0  }
0xa9: {  	s6 =	sshll.u32 s28, $0x1;
	[dreg:$0x2] =	wrdreg s4  }
0xaa: {  	[dreg:$0x3] =	wrdreg s6  }
0xab: {  	[dreg:$0x4] =	wrdreg $0xC0  }
0xac: {  	_ =	task [dreg:s8], $0x5FFFF  }
0xad: {  	[dreg:$0x1] =	wrdreg $0xFFFFFFFF  }
0xae: {  	[dreg:$0x0] =	wrdreg $0x60  }
0xaf: {  	[dreg:$0x2] =	wrdreg s2  }
0xb0: {  	[dreg:$0x3] =	wrdreg s24  }
0xb1: {  	[dreg:$0x4] =	wrdreg s18  }
0xb2: {  	[dreg:$0x5] =	wrdreg $0xB0800  }
0xb3: {  	[dreg:$0x6] =	wrdreg $0x1F1000  }
0xb4: {  	[dreg:$0x7] =	wrdreg $0x9  }
0xb5: {  	_ =	task.clear_ibuf [dreg:s8], $0x8FFFF;
	_ =	strace $0x90000046  }
0xb6: {  	s29 =	simm.s32 $0x9;
	_ =	strace $0x80000048  }
0xb7: {  	_ =	swait.ge [sflag:s29], $0x1  }
0xb8: {  	[sflag:s29] =	ssyncadd.s32 $0xFFFFFFFF  }
0xb9: {  	_ =	strace $0x90000048  }
0xba: {  	_ =	sfence  }
0xbb: {  	s30 =	sld [smem:$0x0];
	_ =	sdelay $0x2  }
0xbc: {  	s31 =	sshll.u32 s1, $0xD;
	s1 =	sshrl.u32 s1, $0x2  }
0xbd: {  	s3 =	sand.u32 $0x4000, s31;
	s1 =	sadd.s32 s1, s30  }
0xbe: {  	s0 =	sor.u32 s3, s0;
	s1 =	sshll.u32 s1, $0x11  }
0xbf: {  	s0 =	sor.u32 s1, s0  }
0xc0: {  	s0 =	sadd.s32 $0x8F2B, s0  }
0xc1: {  	[sflag:s0] =	ssyncadd.remote.s32 $0x1  }
0xc2: {  	_ =	sfence.sel $0xFFFF  }
0xc3: {  	[dreg:$0x0] =	wrdreg $0xFFFFFFFF;
	(pc) =	sbr.abs _section_cstart, $3  }
0xc4: {  	[dreg:$0x1] =	wrdreg $0xFFFFFFFF  }
0xc5: {  	_ =	task.clear_ibuf [dreg:s8], $0x2FFFF;
	_ =	strace $0x9FFFFFFF  }
0xc6: {  	(tm) =	ssettm $0x7FFFFFFF  }
0xc7: {  	_ =	shalt  }
tec
execute0_lowered:
.L_overlay_start_1:
0x0: {  	(tag) =	ssettag $0x1  }
0x1: {  	s1 =	rddreg [dreg:$0x0]  }
0x2: {  	s0 =	rddreg [dreg:$0x1]  }
0x3: {  	s4 =	rddreg [dreg:$0x2]  }
0x4: {  	s2 =	rddreg [dreg:$0x3]  }
0x5: {  	s3 =	rddreg [dreg:$0x4];
	s6 =	simm.s32 $0x0  }
0x6: {  	s5 =	srdreg.scid;
	s7 =	stileid.u32;
	s17 =	simm.s32 $0x3000  }
0x7: {  	s18 =	simm.s32 $0x2;
	[smem:$0x7FF] =	sst s6;
	s5 =	sand.u32 $0x1, s5  }
0x8: {  	s9 =	smul.u32 $0x50200, s7;
	s11 =	sadd.s32 $0x14000, s0;
	p0 =	sne.s32 s7, $0x0  }
0x9: {  	s19 =	smul.u32 $0x28000, s5;
	s8 =	sshll.u32 s5, $0x4;
	_ =	strace $0x80000047  }
0xa: {  	[dreg:$0x8] =	wrdreg s11;
	s5 =	ssub.s32 $0x2, s5;
	s9 =	sshrl.u32 s9, $0x2  }
0xb: {  	s10 =	sor.u32 s7, s8;
	s20 =	sshrl.u32 s5, $0x1;
	s6 =	sadd.s32 s9, s2  }
0xc: {  	s15 =	sadd.s32 s4, s8;
	s10 =	smul.u32 $0x5000, s10;
	s22 =	sadd.s32 $0x4000, s6  }
0xd: {  	s14 =	sadd.s32 s19, s0;
	s23 =	sadd.s32 $0x8000, s6;
	[dreg:$0x9] =	wrdreg s22  }
0xe: {  	s5 =	ssub.s32 s5, s20;
	s24 =	sadd.s32 $0xC000, s6;
	[dreg:$0xa] =	wrdreg s23  }
0xf: {  	s20 =	simm.s32 $0x800;
	s25 =	sadd.s32 $0x10000, s6;
	[dreg:$0xb] =	wrdreg s24  }
0x10: {  	s28 =	sadd.s32 $0x14000, s6;
	s21 =	sshrl.u32 s10, $0x3;
	[dreg:$0xc] =	wrdreg s25  }
0x11: {  	s31 =	sadd.s32 $0x14600, s14;
	[dreg:$0xd] =	wrdreg s28;
	s9 =	sadd.s32 s0, s21  }
0x12: {  	s16 =	smax.u32 s5, $0x1;
	[dreg:$0xf] =	wrdreg s31;
	s26 =	sadd.s32 $0x600, s9  }
0x13: {  	s22 =	simm.s32 $0x80;
	s30 =	sadd.s32 $0x80, s9;
	[dreg:$0x6] =	wrdreg s26  }
0x14: {  	s23 =	simm.s32 $0x1;
	s29 =	sadd.s32 $0x680, s9;
	[dreg:$0xe] =	wrdreg s30  }
0x15: {  	v0 =	vimm.f32 $0.0e+00;
	v1 =	vimm.f32 $1.000000000e+00;
	s24 =	simm.s32 $0xB000;
	s25 =	simm.s32 $0x0;
	[dreg:$0x7] =	wrdreg s29  }
.LBB2_1:
0x16: {  	s4 =	simm.s32 $0x0  }
0x17: {  	s0 =	sand.u32 $0xFE00, s4  }
0x18: {  	s4 =	sand.u32 $0x70, s4;
	s5 =	sshrl.u32 s0, $0x2  }
0x19: {  	s0 =	simm.s32 $0x40;
	s5 =	sor.u32 s4, s5;
	s4 =	simm.s32 $0x0  }
.LBB2_2:
0x1a: {  	p1 =	sne.s32 s0, $0xFFC0  }
0x1b: {  	[tilespmem:s5+$0x3000] =	vst v0;
	s4 =	sadd.s32 $0x10, s4;
	s5 =	smov.u32 s0;
	s0 =	sadd.s32 $0x40, s0  }
.Ltmp0:
0x1c: {  	(pc) =	sbr.rel @p1 .LBB2_2-.Ltmp0, $4  }
0x1d: {  	_ = 	snop  }
0x1e: {  	s5 =	sand.u32 $0xFE00, s5  }
0x1f: {  	s7 =	sand.u32 $0x70, s4;
	s5 =	sshrl.u32 s5, $0x2  }
0x20: {  	s5 =	sor.u32 s7, s5  }
0x21: {  	[tilespmem:s5+$0x3000] =	vst v0  }
0x22: {  	[spmem:s6] =	stream.linear.scatter [tilespmem:s17], [sflag:$0x2], $0x4000, $0x38;
	[tilespmem:$0x1F388] =	vst v63  }
0x23: {  	_ =	swait.ge [sflag:s18], $0x4000  }
0x24: {  	[sflag:s18] =	ssyncset.done $0x0  }
0x25: {  	s0 =	rddreg [dreg:$0x9];
	[sflag:s18] =	ssyncadd.s32 $0xFFFFC000  }
0x26: {  	[spmem:s0] =	stream.linear.scatter [tilespmem:s17], [sflag:$0x2], $0x4000, $0x38;
	[tilespmem:$0x1F388] =	vst v63  }
0x27: {  	_ =	swait.ge [sflag:s18], $0x4000  }
0x28: {  	[sflag:s18] =	ssyncset.done $0x0  }
0x29: {  	s11 =	rddreg [dreg:$0xa];
	[sflag:s18] =	ssyncadd.s32 $0xFFFFC000  }
0x2a: {  	[spmem:s11] =	stream.linear.scatter [tilespmem:s17], [sflag:$0x2], $0x4000, $0x38;
	[tilespmem:$0x1F388] =	vst v63  }
0x2b: {  	_ =	swait.ge [sflag:s18], $0x4000  }
0x2c: {  	[sflag:s18] =	ssyncset.done $0x0  }
0x2d: {  	s12 =	rddreg [dreg:$0xb];
	[sflag:s18] =	ssyncadd.s32 $0xFFFFC000  }
0x2e: {  	[spmem:s12] =	stream.linear.scatter [tilespmem:s17], [sflag:$0x2], $0x4000, $0x38;
	[tilespmem:$0x1F388] =	vst v63  }
0x2f: {  	_ =	swait.ge [sflag:s18], $0x4000  }
0x30: {  	[sflag:s18] =	ssyncset.done $0x0  }
0x31: {  	s13 =	rddreg [dreg:$0xc];
	[sflag:s18] =	ssyncadd.s32 $0xFFFFC000  }
0x32: {  	[spmem:s13] =	stream.linear.scatter [tilespmem:s17], [sflag:$0x2], $0x4000, $0x38;
	[tilespmem:$0x1F388] =	vst v63  }
0x33: {  	_ =	swait.ge [sflag:s18], $0x4000  }
0x34: {  	[sflag:s18] =	ssyncset.done $0x0  }
0x35: {  	s14 =	rddreg [dreg:$0xd];
	[sflag:s18] =	ssyncadd.s32 $0xFFFFC000  }
0x36: {  	[spmem:s14] =	stream.linear.scatter [tilespmem:s17], [sflag:$0x2], $0x80, $0x38;
	[tilespmem:$0x1F388] =	vst v63  }
0x37: {  	_ =	swait.ge [sflag:s18], $0x80  }
0x38: {  	s26 =	sshrl.u32 @!p0 s3, $0x3;
	[sflag:s18] =	ssyncset.done $0x0  }
0x39: {  	s0 =	simm.s32 @!p0 $0x1C02;
	s4 =	rddreg [dreg:$0x8];
	[sflag:s18] =	ssyncadd.s32 $0xFFFFFF80  }
0x3a: {  	[spmem:s26], [sflag:s0] =	dma.local @!p0 [hbm:s4], $0x510  }
0x3b: {  	s0 =	simm.s32 @!p0 $0x2  }
0x3c: {  	_ =	swait.ge @!p0 [sflag:s0], $0x510  }
0x3d: {  	[sflag:s0] =	ssyncset.done @!p0 $0x0  }
0x3e: {  	[sflag:s0] =	ssyncadd.s32 @!p0 $0xFFFFFAF0  }
0x3f: {  	[tilespmem:$0xB000] =	vst v1  }
0x40: {  	[tilespmem:$0xB010] =	vst v1  }
0x41: {  	[tilespmem:$0xB020] =	vst v1  }
0x42: {  	[tilespmem:$0xB030] =	vst v1  }
0x43: {  	p1 =	por $0x0, $0x0;
	[tilespmem:$0xB040] =	vst v1  }
0x44: {  	s19 =	simm.s32 $0x400;
	s7 =	simm.s32 $0x1800;
	p2 =	por @!p1 $0x0, $0x0;
	[tilespmem:$0xB050] =	vst v1  }
0x45: {  	s29 =	simm.s32 $0x2;
	s30 =	simm.s32 $0x3;
	p3 =	por p2, p1;
	[tilespmem:$0xB060] =	vst v1  }
0x46: {  	s28 =	simm.s32 $0x4000;
	p4 =	por @!p3 $0x1, $0x1;
	s5 =	simm.s32 @!p3 $0xFFFFFFD1;
	[tilespmem:$0xB070] =	vst v1  }
0x47: {  	p2 =	por @!p1 !p4, p2;
	s0 =	simm.s32 $0x0;
	[bflag:$0x0] =	sbarrier.arrive $0xFFFF  }
0x48: {  	[tilespmem:s0], [sflag:$0x2] =	stream.strided.gather [hbm4b:s9+s19], $0x1800, s20, s19, $0x38;
	[tilespmem:$0x1F388] =	vst v63  }
0x49: {  	p1 =	por !p2, p1;
	s4 =	simm.s32 $0x1;
	_ =	swait.ge [sflag:s18], $0x1800  }
0x4a: {  	p2 =	por $0x1, $0x1;
	s5 =	smov.u32 @p1 s4;
	[sflag:s18] =	ssyncset.done $0x0  }
0x4b: {  	p1 =	por $0x1, $0x1;
	s21 =	rddreg [dreg:$0xe];
	[sflag:s18] =	ssyncadd.s32 $0xFFFFE800  }
0x4c: {  	[tilespmem:s7], [sflag:$0x2] =	stream.strided.gather [hbm4b:s21+s19], $0x1800, s20, s19, $0x38;
	[tilespmem:$0x1F388] =	vst v63  }
0x4d: {  	s5 =	sshll.u32 @!p3 s5, $0x7;
	s8 =	simm.s32 @!p1 $0x400;
	_ =	swait.ge [sflag:s18], $0x1800  }
0x4e: {  	s10 =	simm.s32 @!p1 $0x800;
	s7 =	sxor.u32 @!p3 $0xFFFFFFFF, s0;
	[sflag:s18] =	ssyncset.done $0x0  }
0x4f: {  	s11 =	simm.s32 @!p1 $0x2;
	s4 =	sand.u32 @!p3 $0x4000, s7;
	[sflag:s18] =	ssyncadd.s32 $0xFFFFE800  }
0x50: {  	[tilespmem:s17], [sflag:$0x1] =	stream.indirect.gather [hbm4b:s1+s22], $0x80, s0, s22, $0xb8;
	[tilespmem:$0x1F388] =	vst v63  }
0x51: {  	s5 =	sand.u32 @!p3 $0x3FFFFF80, s5;
	s7 =	simm.s32 @!p3 $0x80;
	s4 =	sor.u32 @!p3 $0x3000, s4  }
0x52: {  	[tilespmem:s4], [sflag:$0x1] =	stream.indirect.gather @!p3 [hbm4b:s1+s7], $0x80, s5, s7, $0xb8;
	[tilespmem:$0x1F388] =	vst v63  }
0x53: {  	s21 =	simm.s32 $0x200;
	s4 =	simm.s32 $0xFFFFA000;
	_ =	swait.ge [sflag:s23], $0x4000  }
0x54: {  	s5 =	simm.s32 @!p1 $0x0;
	p3 =	por $0x0, $0x0;
	[sflag:s23] =	ssyncset.done $0x0  }
0x55: {  	s4 =	smov.u32 @p2 s0;
	s7 =	rddreg [dreg:$0x6];
	[sflag:s23] =	ssyncadd.s32 $0xFFFFC000  }
0x56: {  	[tilespmem:s5], [sflag:$0x2] =	stream.strided.gather @!p1 [hbm4b:s7+s8], $0x1000, s10, s8, $0x38;
	[tilespmem:$0x1F388] =	vst v63  }
0x57: {  	s0 =	sand.u32 $0x4000, s0;
	p2 =	por $0x1, $0x1;
	_ =	swait.ge @!p1 [sflag:s11], $0x1000  }
0x58: {  	p4 =	por @!p3 $0x0, $0x0;
	s31 =	sshra.s32 s4, $0x2;
	[sflag:s11] =	ssyncset.done @!p1 $0x0  }
0x59: {  	s4 =	simm.s32 @!p1 $0x1800;
	s7 =	rddreg [dreg:$0x7];
	[sflag:s11] =	ssyncadd.s32 @!p1 $0xFFFFF000  }
0x5a: {  	[tilespmem:s4], [sflag:$0x2] =	stream.strided.gather @!p1 [hbm4b:s7+s8], $0x1000, s10, s8, $0x38;
	[tilespmem:$0x1F388] =	vst v63  }
0x5b: {  	s0 =	sor.u32 $0x3000, s0;
	s4 =	simm.s32 $0xFFFFA200;
	s8 =	simm.s32 @!p1 $0x3000  }
0x5c: {  	s10 =	simm.s32 @!p1 $0x80;
	s4 =	smov.u32 @p2 s21;
	p2 =	por p4, p3  }
0x5d: {  	_ =	swait.ge @!p1 [sflag:s11], $0x1000;
	p5 =	por @!p2 $0x1, $0x1;
	s7 =	sxor.u32 @!p2 $0xFFFFFFFF, s28  }
0x5e: {  	[sflag:s11] =	ssyncset.done @!p1 $0x0;
	p4 =	por @!p3 !p5, p4;
	s7 =	sand.u32 @!p2 $0x4000, s7  }
0x5f: {  	[sflag:s11] =	ssyncadd.s32 @!p1 $0xFFFFF000;
	p4 =	por !p4, p3;
	s7 =	sor.u32 @!p2 $0x3000, s7  }
.LBB2_4:
0x60: {  	[tilespmem:s8], [sflag:$0x1] =	stream.indirect.gather @!p1 [hbm4b:s1+s10], $0x80, s5, s10, $0xb8;
	[tilespmem:$0x1F388] =	vst v63  }
0x61: {  	s5 =	smov.u32 s29;
	s29 =	smov.u32 s30;
	s30 =	sadd.s32 $0x1, s30  }
0x62: {  	s14 =	sadd.s32 $0x1800, s31;
	s31 =	sshra.s32 s4, $0x2;
	s19 =	sand.u32 $0x4000, s28  }
0x63: {  	[spmem:s2] =	stream.indirect.scatter.add.f32 [tilespmem:s0], [sflag:$0x2], $0x80, s14, s22, $0xb8;
	[tilespmem:$0x1F388] =	vst v63  }
0x64: {  	s8 =	simm.s32 @!p2 $0x80;
	s28 =	sadd.s32 $0x4000, s28;
	_ =	swait.ge [sflag:s18], $0x4000  }
0x65: {  	s21 =	sadd.s32 $0x200, s21;
	p3 =	sne.s32 s30, $0x51;
	[sflag:s18] =	ssyncset.done $0x0  }
0x66: {  	s4 =	sadd.s32 @!p2 $0xFFFFFFD0, s5;
	p1 =	sne.s32 s5, $0x30;
	[sflag:s18] =	ssyncadd.s32 $0xFFFFC000  }
0x67: {  	[spmem:s3] =	stream.indirect.scatter.add.f32 [tilespmem:s24], [sflag:$0x2], $0x1, s14, s22, $0xb8;
	[tilespmem:$0x1F388] =	vst v63  }
0x68: {  	s0 =	sor.u32 $0x3000, s19;
	s4 =	smov.u32 @p4 s5;
	_ =	swait.ge [sflag:s18], $0x80  }
0x69: {  	s11 =	simm.s32 @!p1 $0x400;
	s4 =	sshll.u32 @!p2 s4, $0x7;
	[sflag:s18] =	ssyncset.done $0x0  }
0x6a: {  	s12 =	simm.s32 @!p1 $0x800;
	s4 =	sand.u32 @!p2 $0x3FFFFF80, s4;
	[sflag:s18] =	ssyncadd.s32 $0xFFFFFF80  }
0x6b: {  	[tilespmem:s7], [sflag:$0x1] =	stream.indirect.gather @!p2 [hbm4b:s1+s8], $0x80, s4, s8, $0xb8;
	[tilespmem:$0x1F388] =	vst v63  }
0x6c: {  	s5 =	simm.s32 @!p1 $0x0;
	s13 =	simm.s32 @!p1 $0x2;
	_ =	swait.ge [sflag:s23], $0x4000  }
0x6d: {  	s10 =	simm.s32 @!p1 $0x80;
	s14 =	simm.s32 @!p1 $0x1800;
	[sflag:s23] =	ssyncset.done $0x0  }
0x6e: {  	s4 =	sadd.s32 $0xFFFFA000, s21;
	s7 =	rddreg [dreg:$0x6];
	[sflag:s23] =	ssyncadd.s32 $0xFFFFC000  }
0x6f: {  	[tilespmem:s5], [sflag:$0x2] =	stream.strided.gather @!p1 [hbm4b:s7+s11], $0x1000, s12, s11, $0x38;
	[tilespmem:$0x1F388] =	vst v63  }
0x70: {  	s8 =	simm.s32 @!p1 $0x3000;
	s7 =	sadd.s32 $0xFFFFFFFF, s29;
	_ =	swait.ge @!p1 [sflag:s13], $0x1000  }
0x71: {  	p4 =	seq.s32 s7, $0x2F;
	p2 =	slt.u32 s7, $0x30;
	s19 =	rddreg [dreg:$0x7]  }
0x72: {  	p5 =	seq.s32 @!p4 s7, $0x4F;
	s4 =	smov.u32 @p2 s21;
	[sflag:s13] =	ssyncset.done @!p1 $0x0  }
.Ltmp1:
0x73: {  	p2 =	por p5, p4;
	[sflag:s13] =	ssyncadd.s32 @!p1 $0xFFFFF000;
	(pc) =	sbr.rel @p3 .LBB2_4-.Ltmp1, $4  }
0x74: {  	[tilespmem:s14], [sflag:$0x2] =	stream.strided.gather @!p1 [hbm4b:s19+s11], $0x1000, s12, s11, $0x38;
	[tilespmem:$0x1F388] =	vst v63  }
0x75: {  	p6 =	slt.u32 @!p2 s7, $0x2F;
	s7 =	sxor.u32 @!p2 $0xFFFFFFFF, s28;
	_ =	swait.ge @!p1 [sflag:s13], $0x1000  }
0x76: {  	p5 =	por @!p4 !p6, p5;
	s7 =	sand.u32 @!p2 $0x4000, s7;
	[sflag:s13] =	ssyncset.done @!p1 $0x0  }
0x77: {  	p4 =	por !p5, p4;
	s7 =	sor.u32 @!p2 $0x3000, s7;
	[sflag:s13] =	ssyncadd.s32 @!p1 $0xFFFFF000  }
0x78: {  	[tilespmem:s8], [sflag:$0x1] =	stream.indirect.gather @!p1 [hbm4b:s1+s10], $0x80, s5, s10, $0xb8;
	[tilespmem:$0x1F388] =	vst v63  }
0x79: {  	s21 =	sadd.s32 $0x1800, s31  }
0x7a: {  	[spmem:s2] =	stream.indirect.scatter.add.f32 [tilespmem:s0], [sflag:$0x2], $0x80, s21, s22, $0xb8;
	[tilespmem:$0x1F388] =	vst v63  }
0x7b: {  	_ =	swait.ge [sflag:s18], $0x4000  }
0x7c: {  	[sflag:s18] =	ssyncset.done $0x0  }
0x7d: {  	s0 =	sadd.s32 @!p2 $0xFFFFFFD0, s29;
	[sflag:s18] =	ssyncadd.s32 $0xFFFFC000  }
0x7e: {  	[spmem:s3] =	stream.indirect.scatter.add.f32 [tilespmem:s24], [sflag:$0x2], $0x1, s21, s22, $0xb8;
	[tilespmem:$0x1F388] =	vst v63  }
0x7f: {  	s0 =	smov.u32 @p4 s29;
	_ =	swait.ge [sflag:s18], $0x80  }
0x80: {  	s5 =	simm.s32 @!p2 $0x80;
	s0 =	sshll.u32 @!p2 s0, $0x7;
	[sflag:s18] =	ssyncset.done $0x0  }
0x81: {  	p1 =	sne.s32 s29, $0x30;
	s0 =	sand.u32 @!p2 $0x3FFFFF80, s0;
	[sflag:s18] =	ssyncadd.s32 $0xFFFFFF80  }
0x82: {  	[tilespmem:s7], [sflag:$0x1] =	stream.indirect.gather @!p2 [hbm4b:s1+s5], $0x80, s0, s5, $0xb8;
	[tilespmem:$0x1F388] =	vst v63  }
0x83: {  	s8 =	simm.s32 @!p1 $0x0;
	_ =	swait.ge [sflag:s23], $0x4000  }
0x84: {  	s10 =	simm.s32 @!p1 $0x2;
	s5 =	simm.s32 @!p1 $0x400;
	[sflag:s23] =	ssyncset.done $0x0  }
0x85: {  	s7 =	simm.s32 @!p1 $0x800;
	s0 =	rddreg [dreg:$0x6];
	[sflag:s23] =	ssyncadd.s32 $0xFFFFC000  }
0x86: {  	[tilespmem:s8], [sflag:$0x2] =	stream.strided.gather @!p1 [hbm4b:s0+s5], $0x1000, s7, s5, $0x38;
	[tilespmem:$0x1F388] =	vst v63  }
0x87: {  	_ =	swait.ge @!p1 [sflag:s10], $0x1000  }
0x88: {  	[sflag:s10] =	ssyncset.done @!p1 $0x0  }
0x89: {  	s11 =	simm.s32 @!p1 $0x1800;
	s0 =	rddreg [dreg:$0x7];
	[sflag:s10] =	ssyncadd.s32 @!p1 $0xFFFFF000  }
0x8a: {  	[tilespmem:s11], [sflag:$0x2] =	stream.strided.gather @!p1 [hbm4b:s0+s5], $0x1000, s7, s5, $0x38;
	[tilespmem:$0x1F388] =	vst v63  }
0x8b: {  	_ =	swait.ge @!p1 [sflag:s10], $0x1000  }
0x8c: {  	s30 =	sshra.s32 s4, $0x2;
	s31 =	sand.u32 $0x4000, s28;
	[sflag:s10] =	ssyncset.done @!p1 $0x0  }
0x8d: {  	s5 =	simm.s32 @!p1 $0x3000;
	s7 =	simm.s32 @!p1 $0x80;
	[sflag:s10] =	ssyncadd.s32 @!p1 $0xFFFFF000  }
0x8e: {  	[tilespmem:s5], [sflag:$0x1] =	stream.indirect.gather @!p1 [hbm4b:s1+s7], $0x80, s8, s7, $0xb8;
	[tilespmem:$0x1F388] =	vst v63  }
0x8f: {  	s4 =	sor.u32 $0x3000, s31;
	s0 =	sadd.s32 $0x1800, s30  }
0x90: {  	[spmem:s2] =	stream.indirect.scatter.add.f32 [tilespmem:s4], [sflag:$0x2], $0x80, s0, s22, $0xb8;
	[tilespmem:$0x1F388] =	vst v63  }
0x91: {  	_ =	swait.ge [sflag:s18], $0x4000  }
0x92: {  	[sflag:s18] =	ssyncset.done $0x0  }
0x93: {  	[sflag:s18] =	ssyncadd.s32 $0xFFFFC000  }
0x94: {  	[spmem:s3] =	stream.indirect.scatter.add.f32 [tilespmem:s24], [sflag:$0x2], $0x1, s0, s22, $0xb8;
	[tilespmem:$0x1F388] =	vst v63  }
0x95: {  	_ =	swait.ge [sflag:s18], $0x80  }
0x96: {  	[sflag:s18] =	ssyncset.done $0x0  }
0x97: {  	[sflag:s18] =	ssyncadd.s32 $0xFFFFFF80  }
0x98: {  	[bflag:$0x0] =	sbarrier.arrive $0xFFFF  }
0x99: {  	s4 =	simm.s32 @!p0 $0x1C02;
	s0 =	sshrl.u32 @!p0 s2, $0x3;
	s5 =	rddreg [dreg:$0xf]  }
0x9a: {  	[hbm:s5], [sflag:s4] =	dma.local @!p0 [spmem:s0], $0x28000  }
0x9b: {  	s0 =	simm.s32 @!p0 $0x2  }
0x9c: {  	s25 =	sadd.s32 $0x1, s25;
	s7 =	simm.s32 @!p0 $0x20;
	_ =	swait.ge @!p0 [sflag:s0], $0x28000  }
0x9d: {  	s8 =	simm.s32 @!p0 $0x10;
	p1 =	sne.s32 s25, s16;
	[sflag:s0] =	ssyncset.done @!p0 $0x0  }
.Ltmp2:
0x9e: {  	s5 =	simm.s32 @!p0 $0x1;
	[sflag:s0] =	ssyncadd.s32 @!p0 $0xFFFD8000;
	(pc) =	sbr.rel @p1 .LBB2_1-.Ltmp2, $4  }
0x9f: {  	[hbm:s15@s7], [sflag:s4] =	dma.strided @!p0 [spmem:s26@s8], $0x500, s5, $0x10   }
0xa0: {  	_ =	swait.ge @!p0 [sflag:s0], $0x500  }
0xa1: {  	[sflag:s0] =	ssyncset.done @!p0 $0x0  }
0xa2: {  	[sflag:s0] =	ssyncadd.s32 @!p0 $0xFFFFFB00  }
0xa3: {  	_ =	sfence.sel $0x180000  }
0xa4: {  	[bflag:$0x0] =	sbarrier.arrive $0xFFFF  }
0xa5: {  	_ =	strace $0x90000047  }
0xa6: {  	[bflag:$0x2] =	sbarrier.arrive $0xFFFF  }
0xa7: {  	s0 =	rddreg [dreg:$0x5]  }
0xa8: {  	s0 =	sadd.s32 @!p0 $0x100000, s0  }
0xa9: {  	[sflag:s0] =	ssyncadd.tile.s32 @!p0 $0x1;
	_ =	shalt  }
.Lfunc_end2:
_tile_overlayer_lowered:
.L_overlay_start_2:
0xaa: {  	(tag) =	ssettag $0x2  }
0xab: {  	s0 =	rddreg [dreg:$0x0];
	s2 =	stileid.u32  }
0xac: {  	s1 =	rddreg [dreg:$0x1];
	p0 =	sne.s32 s2, $0x0  }
0xad: {  	s3 =	rddreg [dreg:$0x2];
	[bflag:$0x3] =	sbarrier.arrive $0xFFFF;
	s2 =	simm.s32 @!p0 $0x1C02  }
0xae: {  	[timem:s3], [sflag:s2] =	dma.local @!p0 [hbm:s0], s1  }
0xaf: {  	s0 =	simm.s32 @!p0 $0x2  }
0xb0: {  	_ =	swait.ge @!p0 [sflag:s0], s1  }
0xb1: {  	s1 =	ssub.s32 @!p0 $0x0, s1;
	[sflag:s0] =	ssyncset.done @!p0 $0x0  }
0xb2: {  	[sflag:s0] =	ssyncadd.s32 @!p0 s1  }
0xb3: {  	[bflag:$0x3] =	sbarrier.arrive $0xFFFF  }
0xb4: {  	_ =	shalt  }

</sc_bundles>
